<compile_context>
chip_gen: v7x
topology: tpu7x:2x2x1
jax: 0.10.2.dev20260603
libtpu: 0.0.44.dev20260713+nightly
codegen_flags: <defaults>
</compile_context>

<pallas_src>
import functools

import jax
import jax.numpy as jnp
from jax import lax
from jax.experimental import pallas as pl
from jax.experimental.pallas import tpu as pltpu
from jax.experimental.pallas import tpu_sc as plsc

N = 1_000_000
L = 16
NW = 32
EPW = 31_264
EPW_LAST = N - 31 * EPW
TBL = 119
CH = 8_192
NCH = -(-EPW // CH)


def _make_sc_gather():
  mesh = plsc.VectorSubcoreMesh(core_axis_name="c", subcore_axis_name="s")

  @functools.partial(
      pl.kernel,
      mesh=mesh,
      out_type=(jax.ShapeDtypeStruct((N,), jnp.float32),
                jax.ShapeDtypeStruct((N,), jnp.float32)),
      compiler_params=pltpu.CompilerParams(needs_layout_passes=False, use_tc_tiling_on_sc=False),
      scratch_types=[
          pltpu.VMEM((TBL,), jnp.float32),
          pltpu.VMEM((TBL,), jnp.float32),
          pltpu.VMEM((CH,), jnp.int32),
          pltpu.VMEM((CH,), jnp.int32),
          pltpu.VMEM((CH,), jnp.float32),
          pltpu.VMEM((CH,), jnp.float32),
          pltpu.VMEM((CH,), jnp.float32),
          pltpu.VMEM((CH,), jnp.float32),
          pltpu.SemaphoreType.DMA,
          pltpu.SemaphoreType.DMA,
          pltpu.SemaphoreType.DMA,
          pltpu.SemaphoreType.DMA,
          pltpu.SemaphoreType.DMA,
          pltpu.SemaphoreType.DMA,
      ],
  )
  def sc_gather(z_hbm, scale_hbm, shift_hbm, sg_hbm, sh_hbm,
                scale_v, shift_v, z0, z1, g0, g1, h0, h1,
                zs0, zs1, gs0, gs1, hs0, hs1):
    zb, gb, hb = (z0, z1), (g0, g1), (h0, h1)
    zs, gs, hs = (zs0, zs1), (gs0, gs1), (hs0, hs1)
    wid = lax.axis_index("s") * 2 + lax.axis_index("c")
    base = wid * EPW
    cnt = jnp.where(wid == NW - 1, EPW_LAST, EPW)
    def size_of(k):
      return pl.multiple_of(jnp.minimum(CH, cnt - k * CH), L)

    def start_zin(k, b):
      sz = size_of(k)
      pltpu.async_copy(z_hbm.at[pl.ds(base + k * CH, sz)],
                       zb[b].at[pl.ds(0, sz)], zs[b])

    start_zin(0, 0)
    pltpu.sync_copy(scale_hbm, scale_v)
    pltpu.sync_copy(shift_hbm, shift_v)
    for k in range(NCH):
      b = k % 2
      if k + 1 < NCH:
        start_zin(k + 1, 1 - b)
      sz = size_of(k)
      pltpu.make_async_copy(z_hbm.at[pl.ds(base + k * CH, sz)],
                            zb[b].at[pl.ds(0, sz)], zs[b]).wait()
      if k >= 2:
        psz = size_of(k - 2)
        pltpu.make_async_copy(gb[b].at[pl.ds(0, psz)],
                              sg_hbm.at[pl.ds(base + (k - 2) * CH, psz)],
                              gs[b]).wait()
        pltpu.make_async_copy(hb[b].at[pl.ds(0, psz)],
                              sh_hbm.at[pl.ds(base + (k - 2) * CH, psz)],
                              hs[b]).wait()

      z_v, sg_v, sh_v = zb[b], gb[b], hb[b]

      @plsc.parallel_loop(0, sz, L, unroll=8)
      def body(off):
        z = z_v[pl.ds(off, L)]
        sg_v[pl.ds(off, L)] = plsc.load_gather(scale_v, [z])
        sh_v[pl.ds(off, L)] = plsc.load_gather(shift_v, [z])

      pltpu.async_copy(gb[b].at[pl.ds(0, sz)],
                       sg_hbm.at[pl.ds(base + k * CH, sz)], gs[b])
      pltpu.async_copy(hb[b].at[pl.ds(0, sz)],
                       sh_hbm.at[pl.ds(base + k * CH, sz)], hs[b])

    for k in (NCH - 2, NCH - 1):
      b = k % 2
      sz = size_of(k)
      pltpu.make_async_copy(gb[b].at[pl.ds(0, sz)],
                            sg_hbm.at[pl.ds(base + k * CH, sz)], gs[b]).wait()
      pltpu.make_async_copy(hb[b].at[pl.ds(0, sz)],
                            sh_hbm.at[pl.ds(base + k * CH, sz)], hs[b]).wait()

  return sc_gather


_sc_gather = _make_sc_gather()


@jax.jit
def kernel(x, Z, scale_param, shift_param):
  scp = scale_param.astype(jnp.float32).reshape(-1)
  shp = shift_param.astype(jnp.float32).reshape(-1)
  sg, sh = _sc_gather(Z.astype(jnp.int32), scp, shp)
  x = x.astype(jnp.float32)
  return sg.reshape(-1, 1) * x + sh.reshape(-1, 1)

# --- scband reference (transcript-rebuilt; emitter-appended) ---
"""Pipeline reference for scband-per-element-scale-shift-flax-80315888435982 (READ-ONLY COPY).

The authoritative reference and input builder live on the scoring server;
editing this copy changes nothing except your own understanding.
"""

import jax, jax.numpy as jnp
import numpy as np

N = 1000000
N_SPECIES = 119


def setup_inputs(seed: int = 0) -> dict:
    key = jax.random.key(seed)
    k1, k2 = jax.random.split(key)
    x = jax.random.normal(k1, (N, 1), dtype=jnp.float32)
    Z = jax.random.randint(k2, (N,), 0, N_SPECIES, dtype=jnp.int32)
    # learned params per init: scale init to 1.0, shift init to 0.0, shape (n_species, 1)
    scale_param = jnp.ones((N_SPECIES, 1), dtype=jnp.float32)
    shift_param = jnp.zeros((N_SPECIES, 1), dtype=jnp.float32)
    return {"x": x, "Z": Z, "scale_param": scale_param, "shift_param": shift_param}


def reference(x, Z, scale_param, shift_param):
    x = x.astype(jnp.float32)
    # per-species gather of scale/shift, then elementwise affine
    out = jnp.take(scale_param, Z, axis=0) * x + jnp.take(shift_param, Z, axis=0)
    return out

if __name__ == "__main__":
    import jax
    _d = setup_inputs()
    print(jax.jit(kernel)(*tuple(_d.values())))

</pallas_src>

<mosaic_0001>
#map = affine_map<(d0, d1) -> (0)>
module attributes {stable_mosaic.version = 14 : i64} {
  func.func @sc_gather(%arg0: i32, %arg1: i32, %arg2: memref<1000000xi32, #tpu.memory_space<hbm>>, %arg3: memref<119xf32, #tpu.memory_space<hbm>>, %arg4: memref<119xf32, #tpu.memory_space<hbm>>, %arg5: memref<1000000xf32, #tpu.memory_space<hbm>>, %arg6: memref<1000000xf32, #tpu.memory_space<hbm>>, %arg7: memref<119xf32, #tpu.memory_space<vmem>>, %arg8: memref<119xf32, #tpu.memory_space<vmem>>, %arg9: memref<8192xi32, #tpu.memory_space<vmem>>, %arg10: memref<8192xi32, #tpu.memory_space<vmem>>, %arg11: memref<8192xf32, #tpu.memory_space<vmem>>, %arg12: memref<8192xf32, #tpu.memory_space<vmem>>, %arg13: memref<8192xf32, #tpu.memory_space<vmem>>, %arg14: memref<8192xf32, #tpu.memory_space<vmem>>, %arg15: memref<!tpu.dma_semaphore, #tpu.memory_space<semaphore_mem>>, %arg16: memref<!tpu.dma_semaphore, #tpu.memory_space<semaphore_mem>>, %arg17: memref<!tpu.dma_semaphore, #tpu.memory_space<semaphore_mem>>, %arg18: memref<!tpu.dma_semaphore, #tpu.memory_space<semaphore_mem>>, %arg19: memref<!tpu.dma_semaphore, #tpu.memory_space<semaphore_mem>>, %arg20: memref<!tpu.dma_semaphore, #tpu.memory_space<semaphore_mem>>) attributes {dimension_semantics = [#tpu.dimension_semantics<core_parallel>, #tpu.dimension_semantics<subcore_parallel>], iteration_bounds = array<i64: 2, 16>, scalar_prefetch = 0 : i64, scratch_operands = 14 : i64, tpu.core_type = #tpu.core_type<sc_vector_subcore>, window_params = [{transform_indices = #map}, {transform_indices = #map}, {transform_indices = #map}, {transform_indices = #map}, {transform_indices = #map}]} {
    %mul3A = arith.constant 2 : i32
    %mul3A_0 = arith.muli %arg1, %mul3A : i32
    %add3A = arith.addi %mul3A_0, %arg0 : i32
    %mul3A_1 = arith.constant 31264 : i32
    %mul3A_2 = arith.muli %add3A, %mul3A_1 : i32
    %eq3A = arith.constant 31 : i32
    %eq3A_3 = arith.cmpi eq, %add3A, %eq3A : i32
    %jit3A = arith.constant 30816 : i32
    %jit3A_4 = arith.constant 31264 : i32
    %select_n3A = arith.select %eq3A_3, %jit3A, %jit3A_4 : i32
    %sub3A = arith.constant 0 : i32
    %sub3A_5 = arith.subi %select_n3A, %sub3A : i32
    %min3A = arith.constant 8192 : i32
    %min3A_6 = arith.minsi %min3A, %sub3A_5 : i32
    %multiple_of3A = tpu.assume_multiple %min3A_6, 16 : i32
    %add3A_7 = arith.constant 0 : i32
    %add3A_8 = arith.addi %mul3A_2, %add3A_7 : i32
    %dma_start3A = arith.constant 0 : i32
    %dma_start3A_9 = tpu.memref_slice %arg9[%dma_start3A] <%multiple_of3A> : memref<8192xi32, #tpu.memory_space<vmem>> -> memref<?xi32, #tpu.memory_space<vmem>>
    %dma_start3A_10 = tpu.memref_slice %arg2[%add3A_8] <%multiple_of3A> : memref<1000000xi32, #tpu.memory_space<hbm>> -> memref<?xi32, #tpu.memory_space<hbm>>
    %dma_start3A_11 = arith.constant 0 : i32
    %dma_start3A_12 = tpu.memref_slice %arg9[%dma_start3A_11] <%multiple_of3A> : memref<8192xi32, #tpu.memory_space<vmem>> -> memref<?xi32, #tpu.memory_space<vmem>>
    %dma_start3A_13 = tpu.memref_slice %arg2[%add3A_8] <%multiple_of3A> : memref<1000000xi32, #tpu.memory_space<hbm>> -> memref<?xi32, #tpu.memory_space<hbm>>
    tpu.enqueue_dma source(%dma_start3A_13 : memref<?xi32, #tpu.memory_space<hbm>>) target(%dma_start3A_12 : memref<?xi32, #tpu.memory_space<vmem>>) target_semaphore(%arg15 : memref<!tpu.dma_semaphore, #tpu.memory_space<semaphore_mem>>)
    "tpu.region"() ({
      %run_scoped3A = tpu.sem_alloc : memref<!tpu.dma_semaphore, #tpu.memory_space<semaphore_mem>>
      tpu.enqueue_dma source(%arg3 : memref<119xf32, #tpu.memory_space<hbm>>) target(%arg7 : memref<119xf32, #tpu.memory_space<vmem>>) target_semaphore(%run_scoped3A : memref<!tpu.dma_semaphore, #tpu.memory_space<semaphore_mem>>)
      tpu.wait_dma2 semaphore(%run_scoped3A : memref<!tpu.dma_semaphore, #tpu.memory_space<semaphore_mem>>) src(%arg3 : memref<119xf32, #tpu.memory_space<hbm>>) dst(%arg7 : memref<119xf32, #tpu.memory_space<vmem>>)
      tpu.yield
    }) : () -> ()
    "tpu.region"() ({
      %run_scoped3A = tpu.sem_alloc : memref<!tpu.dma_semaphore, #tpu.memory_space<semaphore_mem>>
      tpu.enqueue_dma source(%arg4 : memref<119xf32, #tpu.memory_space<hbm>>) target(%arg8 : memref<119xf32, #tpu.memory_space<vmem>>) target_semaphore(%run_scoped3A : memref<!tpu.dma_semaphore, #tpu.memory_space<semaphore_mem>>)
      tpu.wait_dma2 semaphore(%run_scoped3A : memref<!tpu.dma_semaphore, #tpu.memory_space<semaphore_mem>>) src(%arg4 : memref<119xf32, #tpu.memory_space<hbm>>) dst(%arg8 : memref<119xf32, #tpu.memory_space<vmem>>)
      tpu.yield
    }) : () -> ()
    %sub3A_14 = arith.constant 8192 : i32
    %sub3A_15 = arith.subi %select_n3A, %sub3A_14 : i32
    %min3A_16 = arith.constant 8192 : i32
    %min3A_17 = arith.minsi %min3A_16, %sub3A_15 : i32
    %multiple_of3A_18 = tpu.assume_multiple %min3A_17, 16 : i32
    %add3A_19 = arith.constant 8192 : i32
    %add3A_20 = arith.addi %mul3A_2, %add3A_19 : i32
    %dma_start3A_21 = arith.constant 0 : i32
    %dma_start3A_22 = tpu.memref_slice %arg10[%dma_start3A_21] <%multiple_of3A_18> : memref<8192xi32, #tpu.memory_space<vmem>> -> memref<?xi32, #tpu.memory_space<vmem>>
    %dma_start3A_23 = tpu.memref_slice %arg2[%add3A_20] <%multiple_of3A_18> : memref<1000000xi32, #tpu.memory_space<hbm>> -> memref<?xi32, #tpu.memory_space<hbm>>
    %dma_start3A_24 = arith.constant 0 : i32
    %dma_start3A_25 = tpu.memref_slice %arg10[%dma_start3A_24] <%multiple_of3A_18> : memref<8192xi32, #tpu.memory_space<vmem>> -> memref<?xi32, #tpu.memory_space<vmem>>
    %dma_start3A_26 = tpu.memref_slice %arg2[%add3A_20] <%multiple_of3A_18> : memref<1000000xi32, #tpu.memory_space<hbm>> -> memref<?xi32, #tpu.memory_space<hbm>>
    tpu.enqueue_dma source(%dma_start3A_26 : memref<?xi32, #tpu.memory_space<hbm>>) target(%dma_start3A_25 : memref<?xi32, #tpu.memory_space<vmem>>) target_semaphore(%arg16 : memref<!tpu.dma_semaphore, #tpu.memory_space<semaphore_mem>>)
    %sub3A_27 = arith.constant 0 : i32
    %sub3A_28 = arith.subi %select_n3A, %sub3A_27 : i32
    %min3A_29 = arith.constant 8192 : i32
    %min3A_30 = arith.minsi %min3A_29, %sub3A_28 : i32
    %multiple_of3A_31 = tpu.assume_multiple %min3A_30, 16 : i32
    %add3A_32 = arith.constant 0 : i32
    %add3A_33 = arith.addi %mul3A_2, %add3A_32 : i32
    %dma_wait3A = arith.constant 0 : i32
    %dma_wait3A_34 = tpu.memref_slice %arg9[%dma_wait3A] <%multiple_of3A_31> : memref<8192xi32, #tpu.memory_space<vmem>> -> memref<?xi32, #tpu.memory_space<vmem>>
    %dma_wait3A_35 = tpu.memref_slice %arg2[%add3A_33] <%multiple_of3A_31> : memref<1000000xi32, #tpu.memory_space<hbm>> -> memref<?xi32, #tpu.memory_space<hbm>>
    %dma_wait3A_36 = arith.constant 0 : i32
    %dma_wait3A_37 = tpu.memref_slice %arg9[%dma_wait3A_36] <%multiple_of3A_31> : memref<8192xi32, #tpu.memory_space<vmem>> -> memref<?xi32, #tpu.memory_space<vmem>>
    %dma_wait3A_38 = tpu.memref_slice %arg2[%add3A_33] <%multiple_of3A_31> : memref<1000000xi32, #tpu.memory_space<hbm>> -> memref<?xi32, #tpu.memory_space<hbm>>
    tpu.wait_dma2 semaphore(%arg15 : memref<!tpu.dma_semaphore, #tpu.memory_space<semaphore_mem>>) src(%dma_wait3A_38 : memref<?xi32, #tpu.memory_space<hbm>>) dst(%dma_wait3A_37 : memref<?xi32, #tpu.memory_space<vmem>>)
    %parallel_loop3A = arith.constant 0 : i32
    %parallel_loop3A_39 = arith.constant 16 : i32
    scf.for %parallel_loop3A_259 = %parallel_loop3A to %multiple_of3A_31 step %parallel_loop3A_39  : i32 {
      %parallel_loop3A_260 = arith.index_cast %parallel_loop3A_259 : i32 to index
      %parallel_loop3A_261 = tpu.vector_load %arg9[%parallel_loop3A_260] {strides = array<i32>} : memref<8192xi32, #tpu.memory_space<vmem>>, vector<16xi32>,
      %parallel_loop3A_262 = tpu.vector_load_idx %arg7[%parallel_loop3A_261] : memref<119xf32, #tpu.memory_space<vmem>>[vector<16xi32>], vector<16xf32>,
      %parallel_loop3A_263 = arith.index_cast %parallel_loop3A_259 : i32 to index
      %parallel_loop3A_264 = tpu.vector_load %arg11[%parallel_loop3A_263] {strides = array<i32>} : memref<8192xf32, #tpu.memory_space<vmem>>, vector<16xf32>,
      tpu.vector_store %arg11[%parallel_loop3A_263], %parallel_loop3A_262 {strides = array<i32>} : memref<8192xf32, #tpu.memory_space<vmem>>, vector<16xf32>,
      %parallel_loop3A_265 = tpu.vector_load_idx %arg8[%parallel_loop3A_261] : memref<119xf32, #tpu.memory_space<vmem>>[vector<16xi32>], vector<16xf32>,
      %parallel_loop3A_266 = arith.index_cast %parallel_loop3A_259 : i32 to index
      %parallel_loop3A_267 = tpu.vector_load %arg13[%parallel_loop3A_266] {strides = array<i32>} : memref<8192xf32, #tpu.memory_space<vmem>>, vector<16xf32>,
      tpu.vector_store %arg13[%parallel_loop3A_266], %parallel_loop3A_265 {strides = array<i32>} : memref<8192xf32, #tpu.memory_space<vmem>>, vector<16xf32>,
    } {sc.loop_unroll_factor = 8 : i64, sc.parallel_access}
    %add3A_40 = arith.constant 0 : i32
    %add3A_41 = arith.addi %mul3A_2, %add3A_40 : i32
    %dma_start3A_42 = arith.constant 0 : i32
    %dma_start3A_43 = tpu.memref_slice %arg11[%dma_start3A_42] <%multiple_of3A_31> : memref<8192xf32, #tpu.memory_space<vmem>> -> memref<?xf32, #tpu.memory_space<vmem>>
    %dma_start3A_44 = tpu.memref_slice %arg5[%add3A_41] <%multiple_of3A_31> : memref<1000000xf32, #tpu.memory_space<hbm>> -> memref<?xf32, #tpu.memory_space<hbm>>
    %dma_start3A_45 = tpu.memref_slice %arg5[%add3A_41] <%multiple_of3A_31> : memref<1000000xf32, #tpu.memory_space<hbm>> -> memref<?xf32, #tpu.memory_space<hbm>>
    %dma_start3A_46 = arith.constant 0 : i32
    %dma_start3A_47 = tpu.memref_slice %arg11[%dma_start3A_46] <%multiple_of3A_31> : memref<8192xf32, #tpu.memory_space<vmem>> -> memref<?xf32, #tpu.memory_space<vmem>>
    tpu.enqueue_dma source(%dma_start3A_47 : memref<?xf32, #tpu.memory_space<vmem>>) target(%dma_start3A_45 : memref<?xf32, #tpu.memory_space<hbm>>) target_semaphore(%arg17 : memref<!tpu.dma_semaphore, #tpu.memory_space<semaphore_mem>>)
    %add3A_48 = arith.constant 0 : i32
    %add3A_49 = arith.addi %mul3A_2, %add3A_48 : i32
    %dma_start3A_50 = arith.constant 0 : i32
    %dma_start3A_51 = tpu.memref_slice %arg13[%dma_start3A_50] <%multiple_of3A_31> : memref<8192xf32, #tpu.memory_space<vmem>> -> memref<?xf32, #tpu.memory_space<vmem>>
    %dma_start3A_52 = tpu.memref_slice %arg6[%add3A_49] <%multiple_of3A_31> : memref<1000000xf32, #tpu.memory_space<hbm>> -> memref<?xf32, #tpu.memory_space<hbm>>
    %dma_start3A_53 = tpu.memref_slice %arg6[%add3A_49] <%multiple_of3A_31> : memref<1000000xf32, #tpu.memory_space<hbm>> -> memref<?xf32, #tpu.memory_space<hbm>>
    %dma_start3A_54 = arith.constant 0 : i32
    %dma_start3A_55 = tpu.memref_slice %arg13[%dma_start3A_54] <%multiple_of3A_31> : memref<8192xf32, #tpu.memory_space<vmem>> -> memref<?xf32, #tpu.memory_space<vmem>>
    tpu.enqueue_dma source(%dma_start3A_55 : memref<?xf32, #tpu.memory_space<vmem>>) target(%dma_start3A_53 : memref<?xf32, #tpu.memory_space<hbm>>) target_semaphore(%arg19 : memref<!tpu.dma_semaphore, #tpu.memory_space<semaphore_mem>>)
    %sub3A_56 = arith.constant 16384 : i32
    %sub3A_57 = arith.subi %select_n3A, %sub3A_56 : i32
    %min3A_58 = arith.constant 8192 : i32
    %min3A_59 = arith.minsi %min3A_58, %sub3A_57 : i32
    %multiple_of3A_60 = tpu.assume_multiple %min3A_59, 16 : i32
    %add3A_61 = arith.constant 16384 : i32
    %add3A_62 = arith.addi %mul3A_2, %add3A_61 : i32
    %dma_start3A_63 = arith.constant 0 : i32
    %dma_start3A_64 = tpu.memref_slice %arg9[%dma_start3A_63] <%multiple_of3A_60> : memref<8192xi32, #tpu.memory_space<vmem>> -> memref<?xi32, #tpu.memory_space<vmem>>
    %dma_start3A_65 = tpu.memref_slice %arg2[%add3A_62] <%multiple_of3A_60> : memref<1000000xi32, #tpu.memory_space<hbm>> -> memref<?xi32, #tpu.memory_space<hbm>>
    %dma_start3A_66 = arith.constant 0 : i32
    %dma_start3A_67 = tpu.memref_slice %arg9[%dma_start3A_66] <%multiple_of3A_60> : memref<8192xi32, #tpu.memory_space<vmem>> -> memref<?xi32, #tpu.memory_space<vmem>>
    %dma_start3A_68 = tpu.memref_slice %arg2[%add3A_62] <%multiple_of3A_60> : memref<1000000xi32, #tpu.memory_space<hbm>> -> memref<?xi32, #tpu.memory_space<hbm>>
    tpu.enqueue_dma source(%dma_start3A_68 : memref<?xi32, #tpu.memory_space<hbm>>) target(%dma_start3A_67 : memref<?xi32, #tpu.memory_space<vmem>>) target_semaphore(%arg15 : memref<!tpu.dma_semaphore, #tpu.memory_space<semaphore_mem>>)
    %sub3A_69 = arith.constant 8192 : i32
    %sub3A_70 = arith.subi %select_n3A, %sub3A_69 : i32
    %min3A_71 = arith.constant 8192 : i32
    %min3A_72 = arith.minsi %min3A_71, %sub3A_70 : i32
    %multiple_of3A_73 = tpu.assume_multiple %min3A_72, 16 : i32
    %add3A_74 = arith.constant 8192 : i32
    %add3A_75 = arith.addi %mul3A_2, %add3A_74 : i32
    %dma_wait3A_76 = arith.constant 0 : i32
    %dma_wait3A_77 = tpu.memref_slice %arg10[%dma_wait3A_76] <%multiple_of3A_73> : memref<8192xi32, #tpu.memory_space<vmem>> -> memref<?xi32, #tpu.memory_space<vmem>>
    %dma_wait3A_78 = tpu.memref_slice %arg2[%add3A_75] <%multiple_of3A_73> : memref<1000000xi32, #tpu.memory_space<hbm>> -> memref<?xi32, #tpu.memory_space<hbm>>
    %dma_wait3A_79 = arith.constant 0 : i32
    %dma_wait3A_80 = tpu.memref_slice %arg10[%dma_wait3A_79] <%multiple_of3A_73> : memref<8192xi32, #tpu.memory_space<vmem>> -> memref<?xi32, #tpu.memory_space<vmem>>
    %dma_wait3A_81 = tpu.memref_slice %arg2[%add3A_75] <%multiple_of3A_73> : memref<1000000xi32, #tpu.memory_space<hbm>> -> memref<?xi32, #tpu.memory_space<hbm>>
    tpu.wait_dma2 semaphore(%arg16 : memref<!tpu.dma_semaphore, #tpu.memory_space<semaphore_mem>>) src(%dma_wait3A_81 : memref<?xi32, #tpu.memory_space<hbm>>) dst(%dma_wait3A_80 : memref<?xi32, #tpu.memory_space<vmem>>)
    %parallel_loop3A_82 = arith.constant 0 : i32
    %parallel_loop3A_83 = arith.constant 16 : i32
    scf.for %parallel_loop3A_259 = %parallel_loop3A_82 to %multiple_of3A_73 step %parallel_loop3A_83  : i32 {
      %parallel_loop3A_260 = arith.index_cast %parallel_loop3A_259 : i32 to index
      %parallel_loop3A_261 = tpu.vector_load %arg10[%parallel_loop3A_260] {strides = array<i32>} : memref<8192xi32, #tpu.memory_space<vmem>>, vector<16xi32>,
      %parallel_loop3A_262 = tpu.vector_load_idx %arg7[%parallel_loop3A_261] : memref<119xf32, #tpu.memory_space<vmem>>[vector<16xi32>], vector<16xf32>,
      %parallel_loop3A_263 = arith.index_cast %parallel_loop3A_259 : i32 to index
      %parallel_loop3A_264 = tpu.vector_load %arg12[%parallel_loop3A_263] {strides = array<i32>} : memref<8192xf32, #tpu.memory_space<vmem>>, vector<16xf32>,
      tpu.vector_store %arg12[%parallel_loop3A_263], %parallel_loop3A_262 {strides = array<i32>} : memref<8192xf32, #tpu.memory_space<vmem>>, vector<16xf32>,
      %parallel_loop3A_265 = tpu.vector_load_idx %arg8[%parallel_loop3A_261] : memref<119xf32, #tpu.memory_space<vmem>>[vector<16xi32>], vector<16xf32>,
      %parallel_loop3A_266 = arith.index_cast %parallel_loop3A_259 : i32 to index
      %parallel_loop3A_267 = tpu.vector_load %arg14[%parallel_loop3A_266] {strides = array<i32>} : memref<8192xf32, #tpu.memory_space<vmem>>, vector<16xf32>,
      tpu.vector_store %arg14[%parallel_loop3A_266], %parallel_loop3A_265 {strides = array<i32>} : memref<8192xf32, #tpu.memory_space<vmem>>, vector<16xf32>,
    } {sc.loop_unroll_factor = 8 : i64, sc.parallel_access}
    %add3A_84 = arith.constant 8192 : i32
    %add3A_85 = arith.addi %mul3A_2, %add3A_84 : i32
    %dma_start3A_86 = arith.constant 0 : i32
    %dma_start3A_87 = tpu.memref_slice %arg12[%dma_start3A_86] <%multiple_of3A_73> : memref<8192xf32, #tpu.memory_space<vmem>> -> memref<?xf32, #tpu.memory_space<vmem>>
    %dma_start3A_88 = tpu.memref_slice %arg5[%add3A_85] <%multiple_of3A_73> : memref<1000000xf32, #tpu.memory_space<hbm>> -> memref<?xf32, #tpu.memory_space<hbm>>
    %dma_start3A_89 = tpu.memref_slice %arg5[%add3A_85] <%multiple_of3A_73> : memref<1000000xf32, #tpu.memory_space<hbm>> -> memref<?xf32, #tpu.memory_space<hbm>>
    %dma_start3A_90 = arith.constant 0 : i32
    %dma_start3A_91 = tpu.memref_slice %arg12[%dma_start3A_90] <%multiple_of3A_73> : memref<8192xf32, #tpu.memory_space<vmem>> -> memref<?xf32, #tpu.memory_space<vmem>>
    tpu.enqueue_dma source(%dma_start3A_91 : memref<?xf32, #tpu.memory_space<vmem>>) target(%dma_start3A_89 : memref<?xf32, #tpu.memory_space<hbm>>) target_semaphore(%arg18 : memref<!tpu.dma_semaphore, #tpu.memory_space<semaphore_mem>>)
    %add3A_92 = arith.constant 8192 : i32
    %add3A_93 = arith.addi %mul3A_2, %add3A_92 : i32
    %dma_start3A_94 = arith.constant 0 : i32
    %dma_start3A_95 = tpu.memref_slice %arg14[%dma_start3A_94] <%multiple_of3A_73> : memref<8192xf32, #tpu.memory_space<vmem>> -> memref<?xf32, #tpu.memory_space<vmem>>
    %dma_start3A_96 = tpu.memref_slice %arg6[%add3A_93] <%multiple_of3A_73> : memref<1000000xf32, #tpu.memory_space<hbm>> -> memref<?xf32, #tpu.memory_space<hbm>>
    %dma_start3A_97 = tpu.memref_slice %arg6[%add3A_93] <%multiple_of3A_73> : memref<1000000xf32, #tpu.memory_space<hbm>> -> memref<?xf32, #tpu.memory_space<hbm>>
    %dma_start3A_98 = arith.constant 0 : i32
    %dma_start3A_99 = tpu.memref_slice %arg14[%dma_start3A_98] <%multiple_of3A_73> : memref<8192xf32, #tpu.memory_space<vmem>> -> memref<?xf32, #tpu.memory_space<vmem>>
    tpu.enqueue_dma source(%dma_start3A_99 : memref<?xf32, #tpu.memory_space<vmem>>) target(%dma_start3A_97 : memref<?xf32, #tpu.memory_space<hbm>>) target_semaphore(%arg20 : memref<!tpu.dma_semaphore, #tpu.memory_space<semaphore_mem>>)
    %sub3A_100 = arith.constant 24576 : i32
    %sub3A_101 = arith.subi %select_n3A, %sub3A_100 : i32
    %min3A_102 = arith.constant 8192 : i32
    %min3A_103 = arith.minsi %min3A_102, %sub3A_101 : i32
    %multiple_of3A_104 = tpu.assume_multiple %min3A_103, 16 : i32
    %add3A_105 = arith.constant 24576 : i32
    %add3A_106 = arith.addi %mul3A_2, %add3A_105 : i32
    %dma_start3A_107 = arith.constant 0 : i32
    %dma_start3A_108 = tpu.memref_slice %arg10[%dma_start3A_107] <%multiple_of3A_104> : memref<8192xi32, #tpu.memory_space<vmem>> -> memref<?xi32, #tpu.memory_space<vmem>>
    %dma_start3A_109 = tpu.memref_slice %arg2[%add3A_106] <%multiple_of3A_104> : memref<1000000xi32, #tpu.memory_space<hbm>> -> memref<?xi32, #tpu.memory_space<hbm>>
    %dma_start3A_110 = arith.constant 0 : i32
    %dma_start3A_111 = tpu.memref_slice %arg10[%dma_start3A_110] <%multiple_of3A_104> : memref<8192xi32, #tpu.memory_space<vmem>> -> memref<?xi32, #tpu.memory_space<vmem>>
    %dma_start3A_112 = tpu.memref_slice %arg2[%add3A_106] <%multiple_of3A_104> : memref<1000000xi32, #tpu.memory_space<hbm>> -> memref<?xi32, #tpu.memory_space<hbm>>
    tpu.enqueue_dma source(%dma_start3A_112 : memref<?xi32, #tpu.memory_space<hbm>>) target(%dma_start3A_111 : memref<?xi32, #tpu.memory_space<vmem>>) target_semaphore(%arg16 : memref<!tpu.dma_semaphore, #tpu.memory_space<semaphore_mem>>)
    %sub3A_113 = arith.constant 16384 : i32
    %sub3A_114 = arith.subi %select_n3A, %sub3A_113 : i32
    %min3A_115 = arith.constant 8192 : i32
    %min3A_116 = arith.minsi %min3A_115, %sub3A_114 : i32
    %multiple_of3A_117 = tpu.assume_multiple %min3A_116, 16 : i32
    %add3A_118 = arith.constant 16384 : i32
    %add3A_119 = arith.addi %mul3A_2, %add3A_118 : i32
    %dma_wait3A_120 = arith.constant 0 : i32
    %dma_wait3A_121 = tpu.memref_slice %arg9[%dma_wait3A_120] <%multiple_of3A_117> : memref<8192xi32, #tpu.memory_space<vmem>> -> memref<?xi32, #tpu.memory_space<vmem>>
    %dma_wait3A_122 = tpu.memref_slice %arg2[%add3A_119] <%multiple_of3A_117> : memref<1000000xi32, #tpu.memory_space<hbm>> -> memref<?xi32, #tpu.memory_space<hbm>>
    %dma_wait3A_123 = arith.constant 0 : i32
    %dma_wait3A_124 = tpu.memref_slice %arg9[%dma_wait3A_123] <%multiple_of3A_117> : memref<8192xi32, #tpu.memory_space<vmem>> -> memref<?xi32, #tpu.memory_space<vmem>>
    %dma_wait3A_125 = tpu.memref_slice %arg2[%add3A_119] <%multiple_of3A_117> : memref<1000000xi32, #tpu.memory_space<hbm>> -> memref<?xi32, #tpu.memory_space<hbm>>
    tpu.wait_dma2 semaphore(%arg15 : memref<!tpu.dma_semaphore, #tpu.memory_space<semaphore_mem>>) src(%dma_wait3A_125 : memref<?xi32, #tpu.memory_space<hbm>>) dst(%dma_wait3A_124 : memref<?xi32, #tpu.memory_space<vmem>>)
    %sub3A_126 = arith.constant 0 : i32
    %sub3A_127 = arith.subi %select_n3A, %sub3A_126 : i32
    %min3A_128 = arith.constant 8192 : i32
    %min3A_129 = arith.minsi %min3A_128, %sub3A_127 : i32
    %multiple_of3A_130 = tpu.assume_multiple %min3A_129, 16 : i32
    %add3A_131 = arith.constant 0 : i32
    %add3A_132 = arith.addi %mul3A_2, %add3A_131 : i32
    %dma_wait3A_133 = arith.constant 0 : i32
    %dma_wait3A_134 = tpu.memref_slice %arg11[%dma_wait3A_133] <%multiple_of3A_130> : memref<8192xf32, #tpu.memory_space<vmem>> -> memref<?xf32, #tpu.memory_space<vmem>>
    %dma_wait3A_135 = tpu.memref_slice %arg5[%add3A_132] <%multiple_of3A_130> : memref<1000000xf32, #tpu.memory_space<hbm>> -> memref<?xf32, #tpu.memory_space<hbm>>
    %dma_wait3A_136 = tpu.memref_slice %arg5[%add3A_132] <%multiple_of3A_130> : memref<1000000xf32, #tpu.memory_space<hbm>> -> memref<?xf32, #tpu.memory_space<hbm>>
    %dma_wait3A_137 = arith.constant 0 : i32
    %dma_wait3A_138 = tpu.memref_slice %arg11[%dma_wait3A_137] <%multiple_of3A_130> : memref<8192xf32, #tpu.memory_space<vmem>> -> memref<?xf32, #tpu.memory_space<vmem>>
    tpu.wait_dma2 semaphore(%arg17 : memref<!tpu.dma_semaphore, #tpu.memory_space<semaphore_mem>>) src(%dma_wait3A_138 : memref<?xf32, #tpu.memory_space<vmem>>) dst(%dma_wait3A_136 : memref<?xf32, #tpu.memory_space<hbm>>)
    %add3A_139 = arith.constant 0 : i32
    %add3A_140 = arith.addi %mul3A_2, %add3A_139 : i32
    %dma_wait3A_141 = arith.constant 0 : i32
    %dma_wait3A_142 = tpu.memref_slice %arg13[%dma_wait3A_141] <%multiple_of3A_130> : memref<8192xf32, #tpu.memory_space<vmem>> -> memref<?xf32, #tpu.memory_space<vmem>>
    %dma_wait3A_143 = tpu.memref_slice %arg6[%add3A_140] <%multiple_of3A_130> : memref<1000000xf32, #tpu.memory_space<hbm>> -> memref<?xf32, #tpu.memory_space<hbm>>
    %dma_wait3A_144 = tpu.memref_slice %arg6[%add3A_140] <%multiple_of3A_130> : memref<1000000xf32, #tpu.memory_space<hbm>> -> memref<?xf32, #tpu.memory_space<hbm>>
    %dma_wait3A_145 = arith.constant 0 : i32
    %dma_wait3A_146 = tpu.memref_slice %arg13[%dma_wait3A_145] <%multiple_of3A_130> : memref<8192xf32, #tpu.memory_space<vmem>> -> memref<?xf32, #tpu.memory_space<vmem>>
    tpu.wait_dma2 semaphore(%arg19 : memref<!tpu.dma_semaphore, #tpu.memory_space<semaphore_mem>>) src(%dma_wait3A_146 : memref<?xf32, #tpu.memory_space<vmem>>) dst(%dma_wait3A_144 : memref<?xf32, #tpu.memory_space<hbm>>)
    %parallel_loop3A_147 = arith.constant 0 : i32
    %parallel_loop3A_148 = arith.constant 16 : i32
    scf.for %parallel_loop3A_259 = %parallel_loop3A_147 to %multiple_of3A_117 step %parallel_loop3A_148  : i32 {
      %parallel_loop3A_260 = arith.index_cast %parallel_loop3A_259 : i32 to index
      %parallel_loop3A_261 = tpu.vector_load %arg9[%parallel_loop3A_260] {strides = array<i32>} : memref<8192xi32, #tpu.memory_space<vmem>>, vector<16xi32>,
      %parallel_loop3A_262 = tpu.vector_load_idx %arg7[%parallel_loop3A_261] : memref<119xf32, #tpu.memory_space<vmem>>[vector<16xi32>], vector<16xf32>,
      %parallel_loop3A_263 = arith.index_cast %parallel_loop3A_259 : i32 to index
      %parallel_loop3A_264 = tpu.vector_load %arg11[%parallel_loop3A_263] {strides = array<i32>} : memref<8192xf32, #tpu.memory_space<vmem>>, vector<16xf32>,
      tpu.vector_store %arg11[%parallel_loop3A_263], %parallel_loop3A_262 {strides = array<i32>} : memref<8192xf32, #tpu.memory_space<vmem>>, vector<16xf32>,
      %parallel_loop3A_265 = tpu.vector_load_idx %arg8[%parallel_loop3A_261] : memref<119xf32, #tpu.memory_space<vmem>>[vector<16xi32>], vector<16xf32>,
      %parallel_loop3A_266 = arith.index_cast %parallel_loop3A_259 : i32 to index
      %parallel_loop3A_267 = tpu.vector_load %arg13[%parallel_loop3A_266] {strides = array<i32>} : memref<8192xf32, #tpu.memory_space<vmem>>, vector<16xf32>,
      tpu.vector_store %arg13[%parallel_loop3A_266], %parallel_loop3A_265 {strides = array<i32>} : memref<8192xf32, #tpu.memory_space<vmem>>, vector<16xf32>,
    } {sc.loop_unroll_factor = 8 : i64, sc.parallel_access}
    %add3A_149 = arith.constant 16384 : i32
    %add3A_150 = arith.addi %mul3A_2, %add3A_149 : i32
    %dma_start3A_151 = arith.constant 0 : i32
    %dma_start3A_152 = tpu.memref_slice %arg11[%dma_start3A_151] <%multiple_of3A_117> : memref<8192xf32, #tpu.memory_space<vmem>> -> memref<?xf32, #tpu.memory_space<vmem>>
    %dma_start3A_153 = tpu.memref_slice %arg5[%add3A_150] <%multiple_of3A_117> : memref<1000000xf32, #tpu.memory_space<hbm>> -> memref<?xf32, #tpu.memory_space<hbm>>
    %dma_start3A_154 = tpu.memref_slice %arg5[%add3A_150] <%multiple_of3A_117> : memref<1000000xf32, #tpu.memory_space<hbm>> -> memref<?xf32, #tpu.memory_space<hbm>>
    %dma_start3A_155 = arith.constant 0 : i32
    %dma_start3A_156 = tpu.memref_slice %arg11[%dma_start3A_155] <%multiple_of3A_117> : memref<8192xf32, #tpu.memory_space<vmem>> -> memref<?xf32, #tpu.memory_space<vmem>>
    tpu.enqueue_dma source(%dma_start3A_156 : memref<?xf32, #tpu.memory_space<vmem>>) target(%dma_start3A_154 : memref<?xf32, #tpu.memory_space<hbm>>) target_semaphore(%arg17 : memref<!tpu.dma_semaphore, #tpu.memory_space<semaphore_mem>>)
    %add3A_157 = arith.constant 16384 : i32
    %add3A_158 = arith.addi %mul3A_2, %add3A_157 : i32
    %dma_start3A_159 = arith.constant 0 : i32
    %dma_start3A_160 = tpu.memref_slice %arg13[%dma_start3A_159] <%multiple_of3A_117> : memref<8192xf32, #tpu.memory_space<vmem>> -> memref<?xf32, #tpu.memory_space<vmem>>
    %dma_start3A_161 = tpu.memref_slice %arg6[%add3A_158] <%multiple_of3A_117> : memref<1000000xf32, #tpu.memory_space<hbm>> -> memref<?xf32, #tpu.memory_space<hbm>>
    %dma_start3A_162 = tpu.memref_slice %arg6[%add3A_158] <%multiple_of3A_117> : memref<1000000xf32, #tpu.memory_space<hbm>> -> memref<?xf32, #tpu.memory_space<hbm>>
    %dma_start3A_163 = arith.constant 0 : i32
    %dma_start3A_164 = tpu.memref_slice %arg13[%dma_start3A_163] <%multiple_of3A_117> : memref<8192xf32, #tpu.memory_space<vmem>> -> memref<?xf32, #tpu.memory_space<vmem>>
    tpu.enqueue_dma source(%dma_start3A_164 : memref<?xf32, #tpu.memory_space<vmem>>) target(%dma_start3A_162 : memref<?xf32, #tpu.memory_space<hbm>>) target_semaphore(%arg19 : memref<!tpu.dma_semaphore, #tpu.memory_space<semaphore_mem>>)
    %sub3A_165 = arith.constant 24576 : i32
    %sub3A_166 = arith.subi %select_n3A, %sub3A_165 : i32
    %min3A_167 = arith.constant 8192 : i32
    %min3A_168 = arith.minsi %min3A_167, %sub3A_166 : i32
    %multiple_of3A_169 = tpu.assume_multiple %min3A_168, 16 : i32
    %add3A_170 = arith.constant 24576 : i32
    %add3A_171 = arith.addi %mul3A_2, %add3A_170 : i32
    %dma_wait3A_172 = arith.constant 0 : i32
    %dma_wait3A_173 = tpu.memref_slice %arg10[%dma_wait3A_172] <%multiple_of3A_169> : memref<8192xi32, #tpu.memory_space<vmem>> -> memref<?xi32, #tpu.memory_space<vmem>>
    %dma_wait3A_174 = tpu.memref_slice %arg2[%add3A_171] <%multiple_of3A_169> : memref<1000000xi32, #tpu.memory_space<hbm>> -> memref<?xi32, #tpu.memory_space<hbm>>
    %dma_wait3A_175 = arith.constant 0 : i32
    %dma_wait3A_176 = tpu.memref_slice %arg10[%dma_wait3A_175] <%multiple_of3A_169> : memref<8192xi32, #tpu.memory_space<vmem>> -> memref<?xi32, #tpu.memory_space<vmem>>
    %dma_wait3A_177 = tpu.memref_slice %arg2[%add3A_171] <%multiple_of3A_169> : memref<1000000xi32, #tpu.memory_space<hbm>> -> memref<?xi32, #tpu.memory_space<hbm>>
    tpu.wait_dma2 semaphore(%arg16 : memref<!tpu.dma_semaphore, #tpu.memory_space<semaphore_mem>>) src(%dma_wait3A_177 : memref<?xi32, #tpu.memory_space<hbm>>) dst(%dma_wait3A_176 : memref<?xi32, #tpu.memory_space<vmem>>)
    %sub3A_178 = arith.constant 8192 : i32
    %sub3A_179 = arith.subi %select_n3A, %sub3A_178 : i32
    %min3A_180 = arith.constant 8192 : i32
    %min3A_181 = arith.minsi %min3A_180, %sub3A_179 : i32
    %multiple_of3A_182 = tpu.assume_multiple %min3A_181, 16 : i32
    %add3A_183 = arith.constant 8192 : i32
    %add3A_184 = arith.addi %mul3A_2, %add3A_183 : i32
    %dma_wait3A_185 = arith.constant 0 : i32
    %dma_wait3A_186 = tpu.memref_slice %arg12[%dma_wait3A_185] <%multiple_of3A_182> : memref<8192xf32, #tpu.memory_space<vmem>> -> memref<?xf32, #tpu.memory_space<vmem>>
    %dma_wait3A_187 = tpu.memref_slice %arg5[%add3A_184] <%multiple_of3A_182> : memref<1000000xf32, #tpu.memory_space<hbm>> -> memref<?xf32, #tpu.memory_space<hbm>>
    %dma_wait3A_188 = tpu.memref_slice %arg5[%add3A_184] <%multiple_of3A_182> : memref<1000000xf32, #tpu.memory_space<hbm>> -> memref<?xf32, #tpu.memory_space<hbm>>
    %dma_wait3A_189 = arith.constant 0 : i32
    %dma_wait3A_190 = tpu.memref_slice %arg12[%dma_wait3A_189] <%multiple_of3A_182> : memref<8192xf32, #tpu.memory_space<vmem>> -> memref<?xf32, #tpu.memory_space<vmem>>
    tpu.wait_dma2 semaphore(%arg18 : memref<!tpu.dma_semaphore, #tpu.memory_space<semaphore_mem>>) src(%dma_wait3A_190 : memref<?xf32, #tpu.memory_space<vmem>>) dst(%dma_wait3A_188 : memref<?xf32, #tpu.memory_space<hbm>>)
    %add3A_191 = arith.constant 8192 : i32
    %add3A_192 = arith.addi %mul3A_2, %add3A_191 : i32
    %dma_wait3A_193 = arith.constant 0 : i32
    %dma_wait3A_194 = tpu.memref_slice %arg14[%dma_wait3A_193] <%multiple_of3A_182> : memref<8192xf32, #tpu.memory_space<vmem>> -> memref<?xf32, #tpu.memory_space<vmem>>
    %dma_wait3A_195 = tpu.memref_slice %arg6[%add3A_192] <%multiple_of3A_182> : memref<1000000xf32, #tpu.memory_space<hbm>> -> memref<?xf32, #tpu.memory_space<hbm>>
    %dma_wait3A_196 = tpu.memref_slice %arg6[%add3A_192] <%multiple_of3A_182> : memref<1000000xf32, #tpu.memory_space<hbm>> -> memref<?xf32, #tpu.memory_space<hbm>>
    %dma_wait3A_197 = arith.constant 0 : i32
    %dma_wait3A_198 = tpu.memref_slice %arg14[%dma_wait3A_197] <%multiple_of3A_182> : memref<8192xf32, #tpu.memory_space<vmem>> -> memref<?xf32, #tpu.memory_space<vmem>>
    tpu.wait_dma2 semaphore(%arg20 : memref<!tpu.dma_semaphore, #tpu.memory_space<semaphore_mem>>) src(%dma_wait3A_198 : memref<?xf32, #tpu.memory_space<vmem>>) dst(%dma_wait3A_196 : memref<?xf32, #tpu.memory_space<hbm>>)
    %parallel_loop3A_199 = arith.constant 0 : i32
    %parallel_loop3A_200 = arith.constant 16 : i32
    scf.for %parallel_loop3A_259 = %parallel_loop3A_199 to %multiple_of3A_169 step %parallel_loop3A_200  : i32 {
      %parallel_loop3A_260 = arith.index_cast %parallel_loop3A_259 : i32 to index
      %parallel_loop3A_261 = tpu.vector_load %arg10[%parallel_loop3A_260] {strides = array<i32>} : memref<8192xi32, #tpu.memory_space<vmem>>, vector<16xi32>,
      %parallel_loop3A_262 = tpu.vector_load_idx %arg7[%parallel_loop3A_261] : memref<119xf32, #tpu.memory_space<vmem>>[vector<16xi32>], vector<16xf32>,
      %parallel_loop3A_263 = arith.index_cast %parallel_loop3A_259 : i32 to index
      %parallel_loop3A_264 = tpu.vector_load %arg12[%parallel_loop3A_263] {strides = array<i32>} : memref<8192xf32, #tpu.memory_space<vmem>>, vector<16xf32>,
      tpu.vector_store %arg12[%parallel_loop3A_263], %parallel_loop3A_262 {strides = array<i32>} : memref<8192xf32, #tpu.memory_space<vmem>>, vector<16xf32>,
      %parallel_loop3A_265 = tpu.vector_load_idx %arg8[%parallel_loop3A_261] : memref<119xf32, #tpu.memory_space<vmem>>[vector<16xi32>], vector<16xf32>,
      %parallel_loop3A_266 = arith.index_cast %parallel_loop3A_259 : i32 to index
      %parallel_loop3A_267 = tpu.vector_load %arg14[%parallel_loop3A_266] {strides = array<i32>} : memref<8192xf32, #tpu.memory_space<vmem>>, vector<16xf32>,
      tpu.vector_store %arg14[%parallel_loop3A_266], %parallel_loop3A_265 {strides = array<i32>} : memref<8192xf32, #tpu.memory_space<vmem>>, vector<16xf32>,
    } {sc.loop_unroll_factor = 8 : i64, sc.parallel_access}
    %add3A_201 = arith.constant 24576 : i32
    %add3A_202 = arith.addi %mul3A_2, %add3A_201 : i32
    %dma_start3A_203 = arith.constant 0 : i32
    %dma_start3A_204 = tpu.memref_slice %arg12[%dma_start3A_203] <%multiple_of3A_169> : memref<8192xf32, #tpu.memory_space<vmem>> -> memref<?xf32, #tpu.memory_space<vmem>>
    %dma_start3A_205 = tpu.memref_slice %arg5[%add3A_202] <%multiple_of3A_169> : memref<1000000xf32, #tpu.memory_space<hbm>> -> memref<?xf32, #tpu.memory_space<hbm>>
    %dma_start3A_206 = tpu.memref_slice %arg5[%add3A_202] <%multiple_of3A_169> : memref<1000000xf32, #tpu.memory_space<hbm>> -> memref<?xf32, #tpu.memory_space<hbm>>
    %dma_start3A_207 = arith.constant 0 : i32
    %dma_start3A_208 = tpu.memref_slice %arg12[%dma_start3A_207] <%multiple_of3A_169> : memref<8192xf32, #tpu.memory_space<vmem>> -> memref<?xf32, #tpu.memory_space<vmem>>
    tpu.enqueue_dma source(%dma_start3A_208 : memref<?xf32, #tpu.memory_space<vmem>>) target(%dma_start3A_206 : memref<?xf32, #tpu.memory_space<hbm>>) target_semaphore(%arg18 : memref<!tpu.dma_semaphore, #tpu.memory_space<semaphore_mem>>)
    %add3A_209 = arith.constant 24576 : i32
    %add3A_210 = arith.addi %mul3A_2, %add3A_209 : i32
    %dma_start3A_211 = arith.constant 0 : i32
    %dma_start3A_212 = tpu.memref_slice %arg14[%dma_start3A_211] <%multiple_of3A_169> : memref<8192xf32, #tpu.memory_space<vmem>> -> memref<?xf32, #tpu.memory_space<vmem>>
    %dma_start3A_213 = tpu.memref_slice %arg6[%add3A_210] <%multiple_of3A_169> : memref<1000000xf32, #tpu.memory_space<hbm>> -> memref<?xf32, #tpu.memory_space<hbm>>
    %dma_start3A_214 = tpu.memref_slice %arg6[%add3A_210] <%multiple_of3A_169> : memref<1000000xf32, #tpu.memory_space<hbm>> -> memref<?xf32, #tpu.memory_space<hbm>>
    %dma_start3A_215 = arith.constant 0 : i32
    %dma_start3A_216 = tpu.memref_slice %arg14[%dma_start3A_215] <%multiple_of3A_169> : memref<8192xf32, #tpu.memory_space<vmem>> -> memref<?xf32, #tpu.memory_space<vmem>>
    tpu.enqueue_dma source(%dma_start3A_216 : memref<?xf32, #tpu.memory_space<vmem>>) target(%dma_start3A_214 : memref<?xf32, #tpu.memory_space<hbm>>) target_semaphore(%arg20 : memref<!tpu.dma_semaphore, #tpu.memory_space<semaphore_mem>>)
    %sub3A_217 = arith.constant 16384 : i32
    %sub3A_218 = arith.subi %select_n3A, %sub3A_217 : i32
    %min3A_219 = arith.constant 8192 : i32
    %min3A_220 = arith.minsi %min3A_219, %sub3A_218 : i32
    %multiple_of3A_221 = tpu.assume_multiple %min3A_220, 16 : i32
    %add3A_222 = arith.constant 16384 : i32
    %add3A_223 = arith.addi %mul3A_2, %add3A_222 : i32
    %dma_wait3A_224 = arith.constant 0 : i32
    %dma_wait3A_225 = tpu.memref_slice %arg11[%dma_wait3A_224] <%multiple_of3A_221> : memref<8192xf32, #tpu.memory_space<vmem>> -> memref<?xf32, #tpu.memory_space<vmem>>
    %dma_wait3A_226 = tpu.memref_slice %arg5[%add3A_223] <%multiple_of3A_221> : memref<1000000xf32, #tpu.memory_space<hbm>> -> memref<?xf32, #tpu.memory_space<hbm>>
    %dma_wait3A_227 = tpu.memref_slice %arg5[%add3A_223] <%multiple_of3A_221> : memref<1000000xf32, #tpu.memory_space<hbm>> -> memref<?xf32, #tpu.memory_space<hbm>>
    %dma_wait3A_228 = arith.constant 0 : i32
    %dma_wait3A_229 = tpu.memref_slice %arg11[%dma_wait3A_228] <%multiple_of3A_221> : memref<8192xf32, #tpu.memory_space<vmem>> -> memref<?xf32, #tpu.memory_space<vmem>>
    tpu.wait_dma2 semaphore(%arg17 : memref<!tpu.dma_semaphore, #tpu.memory_space<semaphore_mem>>) src(%dma_wait3A_229 : memref<?xf32, #tpu.memory_space<vmem>>) dst(%dma_wait3A_227 : memref<?xf32, #tpu.memory_space<hbm>>)
    %add3A_230 = arith.constant 16384 : i32
    %add3A_231 = arith.addi %mul3A_2, %add3A_230 : i32
    %dma_wait3A_232 = arith.constant 0 : i32
    %dma_wait3A_233 = tpu.memref_slice %arg13[%dma_wait3A_232] <%multiple_of3A_221> : memref<8192xf32, #tpu.memory_space<vmem>> -> memref<?xf32, #tpu.memory_space<vmem>>
    %dma_wait3A_234 = tpu.memref_slice %arg6[%add3A_231] <%multiple_of3A_221> : memref<1000000xf32, #tpu.memory_space<hbm>> -> memref<?xf32, #tpu.memory_space<hbm>>
    %dma_wait3A_235 = tpu.memref_slice %arg6[%add3A_231] <%multiple_of3A_221> : memref<1000000xf32, #tpu.memory_space<hbm>> -> memref<?xf32, #tpu.memory_space<hbm>>
    %dma_wait3A_236 = arith.constant 0 : i32
    %dma_wait3A_237 = tpu.memref_slice %arg13[%dma_wait3A_236] <%multiple_of3A_221> : memref<8192xf32, #tpu.memory_space<vmem>> -> memref<?xf32, #tpu.memory_space<vmem>>
    tpu.wait_dma2 semaphore(%arg19 : memref<!tpu.dma_semaphore, #tpu.memory_space<semaphore_mem>>) src(%dma_wait3A_237 : memref<?xf32, #tpu.memory_space<vmem>>) dst(%dma_wait3A_235 : memref<?xf32, #tpu.memory_space<hbm>>)
    %sub3A_238 = arith.constant 24576 : i32
    %sub3A_239 = arith.subi %select_n3A, %sub3A_238 : i32
    %min3A_240 = arith.constant 8192 : i32
    %min3A_241 = arith.minsi %min3A_240, %sub3A_239 : i32
    %multiple_of3A_242 = tpu.assume_multiple %min3A_241, 16 : i32
    %add3A_243 = arith.constant 24576 : i32
    %add3A_244 = arith.addi %mul3A_2, %add3A_243 : i32
    %dma_wait3A_245 = arith.constant 0 : i32
    %dma_wait3A_246 = tpu.memref_slice %arg12[%dma_wait3A_245] <%multiple_of3A_242> : memref<8192xf32, #tpu.memory_space<vmem>> -> memref<?xf32, #tpu.memory_space<vmem>>
    %dma_wait3A_247 = tpu.memref_slice %arg5[%add3A_244] <%multiple_of3A_242> : memref<1000000xf32, #tpu.memory_space<hbm>> -> memref<?xf32, #tpu.memory_space<hbm>>
    %dma_wait3A_248 = tpu.memref_slice %arg5[%add3A_244] <%multiple_of3A_242> : memref<1000000xf32, #tpu.memory_space<hbm>> -> memref<?xf32, #tpu.memory_space<hbm>>
    %dma_wait3A_249 = arith.constant 0 : i32
    %dma_wait3A_250 = tpu.memref_slice %arg12[%dma_wait3A_249] <%multiple_of3A_242> : memref<8192xf32, #tpu.memory_space<vmem>> -> memref<?xf32, #tpu.memory_space<vmem>>
    tpu.wait_dma2 semaphore(%arg18 : memref<!tpu.dma_semaphore, #tpu.memory_space<semaphore_mem>>) src(%dma_wait3A_250 : memref<?xf32, #tpu.memory_space<vmem>>) dst(%dma_wait3A_248 : memref<?xf32, #tpu.memory_space<hbm>>)
    %add3A_251 = arith.constant 24576 : i32
    %add3A_252 = arith.addi %mul3A_2, %add3A_251 : i32
    %dma_wait3A_253 = arith.constant 0 : i32
    %dma_wait3A_254 = tpu.memref_slice %arg14[%dma_wait3A_253] <%multiple_of3A_242> : memref<8192xf32, #tpu.memory_space<vmem>> -> memref<?xf32, #tpu.memory_space<vmem>>
    %dma_wait3A_255 = tpu.memref_slice %arg6[%add3A_252] <%multiple_of3A_242> : memref<1000000xf32, #tpu.memory_space<hbm>> -> memref<?xf32, #tpu.memory_space<hbm>>
    %dma_wait3A_256 = tpu.memref_slice %arg6[%add3A_252] <%multiple_of3A_242> : memref<1000000xf32, #tpu.memory_space<hbm>> -> memref<?xf32, #tpu.memory_space<hbm>>
    %dma_wait3A_257 = arith.constant 0 : i32
    %dma_wait3A_258 = tpu.memref_slice %arg14[%dma_wait3A_257] <%multiple_of3A_242> : memref<8192xf32, #tpu.memory_space<vmem>> -> memref<?xf32, #tpu.memory_space<vmem>>
    tpu.wait_dma2 semaphore(%arg20 : memref<!tpu.dma_semaphore, #tpu.memory_space<semaphore_mem>>) src(%dma_wait3A_258 : memref<?xf32, #tpu.memory_space<vmem>>) dst(%dma_wait3A_256 : memref<?xf32, #tpu.memory_space<hbm>>)
    return
  }
}

</mosaic_0001>

<sc_bundles>
// kernel: kernel.3.cloned.1.call-start
scs
__scs_entry_jumppad:
0x0: {  	(pc) =	sbr.rel $0x88, $3  }
0x1: {  	(tag) =	ssettag $0x0;
	lr =	simm.s32 $0x1  }
0x2: {  	[smem:$0x3F9D] =	sst lr;
	_ =	strace $0xD0000000  }
0x3: {  	_ = 	snop  }
0x4: {  	_ = 	snop  }
0x5: {  	_ = 	snop  }
0x6: {  	_ = 	snop  }
0x7: {  	_ = 	snop  }
__scs_overlays_trampoline_lowered:
0x8: {  	[smem:$0x3FAC] =	sst s0  }
0x9: {  	[smem:$0x3FAD] =	sst s1  }
0xa: {  	[smem:$0x3FAE] =	sst s2  }
0xb: {  	[smem:$0x3FAF] =	sst s3  }
0xc: {  	[smem:$0x3FB0] =	sst s4  }
0xd: {  	[smem:$0x3FB1] =	sst s5  }
0xe: {  	[smem:$0x3FB2] =	sst s6  }
0xf: {  	[smem:$0x3FB3] =	sst s7  }
0x10: {  	[smem:$0x3FB4] =	sst s8  }
0x11: {  	[smem:$0x3FB5] =	sst s9;
	s0 =	simm.s32 @!p0 $0x0  }
0x12: {  	s1 =	sld [smem:$0x3F9B];
	s0 =	simm.s32 @p0 $0x1  }
0x13: {  	[smem:$0x3FB6] =	sst s0;
	s0 =	simm.s32 @!p1 $0x0  }
0x14: {  	s2 =	sld [smem:$0x3F9A];
	s0 =	simm.s32 @p1 $0x1  }
0x15: {  	[smem:$0x3FB7] =	sst s0;
	s0 =	simm.s32 @!p2 $0x0  }
0x16: {  	s3 =	sld [smem:$0x3FDB];
	s0 =	simm.s32 @p2 $0x1  }
0x17: {  	s4 =	simm.s32 $0x1BF5;
	[smem:$0x3FB9] =	sst s0  }
0x18: {  	s0 =	sld [smem:$0x3F9C];
	_ =	swait.ge [sflag:s4], $0x0  }
0x19: {  	s7 =	sld [smem:$0x3F9D]  }
0x1a: {  	s8 =	sadd.s32 $0xFFFFE003, lr  }
0x1b: {  	s9 =	sadd.s32 $0xFFFFFEF7, lr;
	s5 =	simm.s32 $0xFFFFFFFF;
	p2 =	slt.u32 s8, $0xFFFFF086  }
0x1c: {  	p1 =	slt.u32 s9, $0xF7A;
	s5 =	simm.s32 @!p2 $0x0  }
0x1d: {  	s5 =	simm.s32 @p1 $0x1;
	p0 =	seq.s32 s7, s2  }
0x1e: {  	s7 =	smul.u32 @!p0 $0xF7A, s2;
	p2 =	seq.s32 @!p0 s5, $0x0  }
0x1f: {  	s9 =	smul.u32 $0xF7A, s1;
	s8 =	simm.s32 @!p0 $0x1BF5;
	p2 =	por !p2, p0  }
0x20: {  	[sflag:s8] =	ssyncset.s32 @!p0 $0xFFFFF086;
	s6 =	sadd.s32 @!p0 s3, s7;
	s7 =	simm.s32 @!p0 $0x108  }
0x21: {  	s3 =	sadd.s32 s3, s9;
	s6 =	sadd.s32 @!p0 $0x88, s6;
	s7 =	simm.s32 @p2 $0x1082  }
0x22: {  	[simem:s7], [sflag:s8] =	dma.local @!p0 [hbm:s6], $0xF7A  }
0x23: {  	s9 =	sor.u32 $0xD0000000, s2;
	s6 =	simm.s32 $0x108;
	_ =	swait.ge @!p0 [sflag:s8], $0x0  }
0x24: {  	s3 =	sadd.s32 $0x88, s3;
	s6 =	simm.s32 @!p1 $0x1082;
	[sflag:s4] =	ssyncset.s32 $0xFFFFF086  }
0x25: {  	[simem:s6], [sflag:s4] =	dma.local [hbm:s3], $0xF7A  }
0x26: {  	[smem:$0x3F9D] =	sst s1;
	(tag) =	ssettag s2;
	_ =	strace s9  }
0x27: {  	s1 =	sld [smem:$0x3FAD]  }
0x28: {  	s2 =	sld [smem:$0x3FAE]  }
0x29: {  	s4 =	sld [smem:$0x3FB0]  }
0x2a: {  	p0 =	seq.s32 s5, $0x0;
	s5 =	sld [smem:$0x3FB1]  }
0x2b: {  	s6 =	sld [smem:$0x3FB2]  }
0x2c: {  	s7 =	sld [smem:$0x3FB3]  }
0x2d: {  	s3 =	simm.s32 $0x108;
	s8 =	sld [smem:$0x3FB4]  }
0x2e: {  	s3 =	simm.s32 @!p0 $0x1082;
	s9 =	sld [smem:$0x3FB5]  }
0x2f: {  	lr =	sadd.s32 s0, s3;
	s0 =	sld [smem:$0x3FAC]  }
0x30: {  	s3 =	sld [smem:$0x3FAF]  }
0x31: {  	[smem:$0x3FB8] =	sst s10  }
0x32: {  	s10 =	sld [smem:$0x3FB6];
	_ =	sdelay $0x3  }
0x33: {  	p0 =	seq.s32 s10, $0x1;
	s10 =	sld [smem:$0x3FB8];
	_ =	sdelay $0x3  }
0x34: {  	[smem:$0x3FB8] =	sst s10  }
0x35: {  	s10 =	sld [smem:$0x3FB7];
	_ =	sdelay $0x3  }
0x36: {  	p1 =	seq.s32 s10, $0x1;
	s10 =	sld [smem:$0x3FB8];
	_ =	sdelay $0x3  }
0x37: {  	[smem:$0x3FB8] =	sst s10  }
0x38: {  	s10 =	sld [smem:$0x3FB9]  }
0x39: {  	_ = 	snop;
	(pc) =	sbr.ind lr, $3  }
0x3a: {  	_ = 	snop  }
0x3b: {  	_ = 	snop  }
0x3c: {  	p2 =	seq.s32 s10, $0x1;
	s10 =	sld [smem:$0x3FB8]  }
0x3d: {  	_ =	shalt  }
0x3e: {  	_ =	shalt  }
0x3f: {  	_ =	shalt  }
0x40: {  	_ =	shalt  }
0x41: {  	_ =	shalt  }
0x42: {  	_ =	shalt  }
0x43: {  	_ =	shalt  }
0x44: {  	_ =	shalt  }
0x45: {  	_ =	shalt  }
0x46: {  	_ =	shalt  }
0x47: {  	_ =	shalt  }
0x48: {  	_ =	shalt  }
0x49: {  	_ =	shalt  }
0x4a: {  	_ =	shalt  }
0x4b: {  	_ =	shalt  }
0x4c: {  	_ =	shalt  }
0x4d: {  	_ =	shalt  }
0x4e: {  	_ =	shalt  }
0x4f: {  	_ =	shalt  }
0x50: {  	_ =	shalt  }
0x51: {  	_ =	shalt  }
0x52: {  	_ =	shalt  }
0x53: {  	_ =	shalt  }
0x54: {  	_ =	shalt  }
0x55: {  	_ =	shalt  }
0x56: {  	_ =	shalt  }
0x57: {  	_ =	shalt  }
0x58: {  	_ =	shalt  }
0x59: {  	_ =	shalt  }
0x5a: {  	_ =	shalt  }
0x5b: {  	_ =	shalt  }
0x5c: {  	_ =	shalt  }
0x5d: {  	_ =	shalt  }
0x5e: {  	_ =	shalt  }
0x5f: {  	_ =	shalt  }
0x60: {  	_ =	shalt  }
0x61: {  	_ =	shalt  }
0x62: {  	_ =	shalt  }
0x63: {  	_ =	shalt  }
0x64: {  	_ =	shalt  }
0x65: {  	_ =	shalt  }
0x66: {  	_ =	shalt  }
0x67: {  	_ =	shalt  }
0x68: {  	_ =	shalt  }
0x69: {  	_ =	shalt  }
0x6a: {  	_ =	shalt  }
0x6b: {  	_ =	shalt  }
0x6c: {  	_ =	shalt  }
0x6d: {  	_ =	shalt  }
0x6e: {  	_ =	shalt  }
0x6f: {  	_ =	shalt  }
0x70: {  	_ =	shalt  }
0x71: {  	_ =	shalt  }
0x72: {  	_ =	shalt  }
0x73: {  	_ =	shalt  }
0x74: {  	_ =	shalt  }
0x75: {  	_ =	shalt  }
0x76: {  	_ =	shalt  }
0x77: {  	_ =	shalt  }
0x78: {  	_ =	shalt  }
0x79: {  	_ =	shalt  }
0x7a: {  	_ =	shalt  }
0x7b: {  	_ =	shalt  }
0x7c: {  	_ =	shalt  }
0x7d: {  	_ =	shalt  }
0x7e: {  	_ =	shalt  }
0x7f: {  	_ =	shalt  }
0x80: {  	_ =	shalt  }
0x81: {  	_ =	shalt  }
0x82: {  	_ =	shalt  }
0x83: {  	_ =	shalt  }
0x84: {  	_ =	shalt  }
0x85: {  	_ =	shalt  }
0x86: {  	_ =	shalt  }
0x87: {  	_ =	shalt  }
.Lfunc_end0:
.L_simem_size_0:
called_computation_lowered:
.L_overlay_start_0:
0x88: {  	s2 =	sld [smem:$0x3FD9]  }
0x89: {  	s3 =	sld [smem:$0x3FFE];
	_ =	sdelay $0x1  }
0x8a: {  	s1 =	srdreg.scid  }
0x8b: {  	s0 =	sand.u32 $0x1, s1  }
0x8c: {  	s17 =	sshll.u32 s0, $0xA;
	s2 =	sadd.s32 s3, s2  }
0x8d: {  	s2 =	sadd.s32 s2, s17  }
0x8e: {  	[smem:$0x3FC4] =	sst s2  }
0x8f: {  	_ = 	snop  }
0x90: {  	s2 =	sld [smem:$0x3FC8]  }
0x91: {  	s18 =	sld [smem:$0x3FC7]  }
0x92: {  	s4 =	sld [smem:$0x3FC6];
	(tm) =	ssettm $0x1  }
0x93: {  	s5 =	sld [smem:$0x3FFB];
	_ =	sdelay $0x3  }
0x94: {  	_ =	strace s5  }
0x95: {  	s5 =	sld [smem:$0x3FFC];
	_ =	sdelay $0x3  }
0x96: {  	_ =	strace s5  }
0x97: {  	s5 =	sld [smem:$0x3FFD];
	_ =	sdelay $0x3  }
0x98: {  	_ =	strace s5  }
0x99: {  	_ =	strace $0x8FFFFFFF  }
0x9a: {  	s19 =	sld [smem:$0x3FDB];
	_ =	sdelay $0x1  }
0x9b: {  	s6 =	simm.s32 $_scs_section_size  }
0x9c: {  	s7 =	simm.s32 $_size__tile_overlayer_lowered;
	s8 =	simm.s32 $_tile_overlayer_lowered  }
0x9d: {  	s22 =	simm.s32 $0x1BFF;
	s21 =	sshll.u32 s8, $0x1;
	s5 =	sadd.s32 s6, s19  }
0x9e: {  	s9 =	simm.s32 $0x0;
	s20 =	sshll.u32 s7, $0x1;
	s7 =	sadd.s32 s21, s5  }
0x9f: {  	[timem:s9], [sflag:s22] =	dma.local [hbm:s7], s20  }
0xa0: {  	_ =	swait.ge [sflag:s22], s20  }
0xa1: {  	s6 =	ssub.s32 $0x0, s20;
	[sflag:s22] =	ssyncset.done $0x0  }
0xa2: {  	[sflag:s22] =	ssyncadd.s32 s6;
	_ =	sdelay $0x1  }
0xa3: {  	s23 =	simm.s32 $0x1B8B  }
0xa4: {  	_ =	swait.ge [sflag:s23], $0x1  }
0xa5: {  	[sflag:s23] =	ssyncset.done $0x0  }
0xa6: {  	s25 =	simm.s32 $0x1B8E;
	s24 =	sld [smem:$0x3FFE];
	[sflag:s23] =	ssyncadd.s32 $0xFFFFFFFF  }
0xa7: {  	s26 =	simm.s32 $execute0_lowered;
	[smem:$0x3FD2] =	sst s25  }
0xa8: {  	s7 =	sshll.u32 s26, $0x1;
	_ =	strace $0x80000046;
	[dreg:$0x1] =	wrdreg $0xFFFFFFFF  }
0xa9: {  	s28 =	simm.s32 $_size_execute0_lowered;
	s5 =	sadd.s32 s5, s7;
	[dreg:$0x0] =	wrdreg $0x0  }
0xaa: {  	s7 =	sshll.u32 s28, $0x1;
	[dreg:$0x2] =	wrdreg s5  }
0xab: {  	[dreg:$0x3] =	wrdreg s7  }
0xac: {  	[dreg:$0x4] =	wrdreg $0xC0  }
0xad: {  	_ =	task [dreg:s9], $0x5FFFF  }
0xae: {  	[dreg:$0x1] =	wrdreg $0xFFFFFFFF  }
0xaf: {  	[dreg:$0x0] =	wrdreg $0x60  }
0xb0: {  	[dreg:$0x2] =	wrdreg s2  }
0xb1: {  	[dreg:$0x3] =	wrdreg s18  }
0xb2: {  	[dreg:$0x4] =	wrdreg s4  }
0xb3: {  	[dreg:$0x5] =	wrdreg s24  }
0xb4: {  	[dreg:$0x6] =	wrdreg $0x9  }
0xb5: {  	_ =	task.clear_ibuf [dreg:s9], $0x7FFFF;
	_ =	strace $0x90000046  }
0xb6: {  	s29 =	simm.s32 $0x9;
	_ =	strace $0x80000048  }
0xb7: {  	_ =	swait.ge [sflag:s29], $0x1  }
0xb8: {  	[sflag:s29] =	ssyncadd.s32 $0xFFFFFFFF  }
0xb9: {  	_ =	strace $0x90000048  }
0xba: {  	_ =	sfence  }
0xbb: {  	s30 =	sld [smem:$0x0];
	_ =	sdelay $0x2  }
0xbc: {  	s31 =	sshll.u32 s1, $0xD;
	s1 =	sshrl.u32 s1, $0x2  }
0xbd: {  	s3 =	sand.u32 $0x4000, s31;
	s1 =	sadd.s32 s1, s30  }
0xbe: {  	s0 =	sor.u32 s3, s0;
	s1 =	sshll.u32 s1, $0x11  }
0xbf: {  	s0 =	sor.u32 s1, s0  }
0xc0: {  	s0 =	sadd.s32 $0x8F2B, s0  }
0xc1: {  	[sflag:s0] =	ssyncadd.remote.s32 $0x1  }
0xc2: {  	_ =	sfence.sel $0xFFFF  }
0xc3: {  	[dreg:$0x0] =	wrdreg $0xFFFFFFFF;
	(pc) =	sbr.abs _section_cstart, $3  }
0xc4: {  	[dreg:$0x1] =	wrdreg $0xFFFFFFFF  }
0xc5: {  	_ =	task.clear_ibuf [dreg:s9], $0x2FFFF;
	_ =	strace $0x9FFFFFFF  }
0xc6: {  	(tm) =	ssettm $0x7FFFFFFF  }
0xc7: {  	_ =	shalt  }
tec
execute0_lowered:
.L_overlay_start_1:
0x0: {  	(tag) =	ssettag $0x1  }
0x1: {  	s0 =	rddreg [dreg:$0x0];
	s1 =	srdreg.scid  }
0x2: {  	s3 =	stileid.u32;
	s2 =	rddreg [dreg:$0x3];
	s4 =	simm.s32 $0x0  }
0x3: {  	s12 =	simm.s32 $0xFFFFE7A0;
	s13 =	simm.s32 $0x1860;
	s28 =	simm.s32 $0x20F0  }
0x4: {  	s29 =	simm.s32 $0x1;
	s30 =	simm.s32 $0x40F0;
	s31 =	simm.s32 $0x80F0  }
0x5: {  	s1 =	sand.u32 $0x1, s1;
	s3 =	sshll.u32 s3, $0x1;
	[smem:$0x7FF] =	sst s4  }
0x6: {  	s6 =	sadd.s32 $0xA00, s2;
	s2 =	sadd.s32 $0x1F400, s2;
	s3 =	sor.u32 s1, s3  }
0x7: {  	_ =	strace $0x80000047;
	s1 =	ssub.s32 $0x2, s1;
	s5 =	smul.u32 $0x7A20, s3  }
0x8: {  	s7 =	sshrl.u32 s1, $0x1;
	p0 =	seq.s32 s3, $0x1F;
	s3 =	simm.s32 $0x3  }
0x9: {  	s1 =	ssub.s32 s1, s7;
	s13 =	simm.s32 @!p0 $0x1A20;
	s5 =	sshrl.u32 s5, $0x3  }
0xa: {  	s12 =	simm.s32 @!p0 $0xFFFFE5E0;
	s17 =	sand.u32 $0x1A00, s13;
	s21 =	sadd.s32 s0, s5  }
0xb: {  	s20 =	sadd.s32 $0x400, s5;
	s23 =	sadd.s32 s6, s5;
	[dreg:$0x5] =	wrdreg s21  }
0xc: {  	s24 =	sadd.s32 s2, s5;
	s25 =	sadd.s32 $0x800, s5;
	[dreg:$0x7] =	wrdreg s23  }
0xd: {  	s5 =	sadd.s32 $0xC00, s5;
	s22 =	sadd.s32 s0, s20;
	[dreg:$0x8] =	wrdreg s24  }
0xe: {  	s8 =	sadd.s32 s0, s25;
	s26 =	sadd.s32 s6, s20;
	s7 =	sadd.s32 s2, s20  }
0xf: {  	s0 =	sadd.s32 s0, s5;
	s15 =	sadd.s32 s6, s25;
	s16 =	sadd.s32 s2, s25  }
0x10: {  	s18 =	sadd.s32 s6, s5;
	s19 =	sadd.s32 s2, s5;
	s20 =	smax.u32 s1, $0x1  }
0x11: {  	s21 =	sor.u32 $0xA0F0, s17;
	s23 =	sor.u32 $0x20F0, s17;
	[dreg:$0x6] =	wrdreg s22  }
0x12: {  	s24 =	simm.s32 $0xF0;
	s25 =	simm.s32 $0x7;
	[dreg:$0x9] =	wrdreg s8  }
0x13: {  	s2 =	simm.s32 $0x2;
	s1 =	simm.s32 $0xA0F0;
	[dreg:$0xa] =	wrdreg s26  }
0x14: {  	s5 =	simm.s32 $0x5;
	s6 =	simm.s32 $0x4;
	[dreg:$0xb] =	wrdreg s7  }
0x15: {  	[dreg:$0xc] =	wrdreg s0;
	s22 =	sor.u32 $0x60F0, s17;
	s26 =	simm.s32 $0x78  }
0x16: {  	s0 =	simm.s32 $0x60F0;
	s7 =	simm.s32 $0x6;
	s8 =	simm.s32 $0x0  }
.LBB2_1:
0x17: {  	s9 =	rddreg [dreg:$0x5]  }
0x18: {  	[tilespmem:s24], [sflag:$0x1] =	stream.linear.gather [hbm4b:s9+s4], $0x2000, $0x38;
	[tilespmem:$0xC0F0] =	vst v63  }
0x19: {  	s14 =	rddreg [dreg:$0x1]  }
0x1a: {  	[tilespmem:s4], [sflag:$0x7] =	stream.linear.gather [hbm4b:s14+s4], $0x78, $0x38;
	[tilespmem:$0xC0F0] =	vst v63  }
0x1b: {  	_ =	swait.ge [sflag:s25], $0x78  }
0x1c: {  	[sflag:s25] =	ssyncset.done $0x0  }
0x1d: {  	[sflag:s25] =	ssyncadd.s32 $0xFFFFFF88  }
0x1e: {  	s10 =	rddreg [dreg:$0x2]  }
0x1f: {  	[tilespmem:s26], [sflag:$0x7] =	stream.linear.gather [hbm4b:s10+s4], $0x78, $0x38;
	[tilespmem:$0xC0F0] =	vst v63  }
0x20: {  	_ =	swait.ge [sflag:s25], $0x78  }
0x21: {  	[sflag:s25] =	ssyncset.done $0x0  }
0x22: {  	s11 =	rddreg [dreg:$0x6];
	[sflag:s25] =	ssyncadd.s32 $0xFFFFFF88  }
0x23: {  	[tilespmem:s28], [sflag:$0x2] =	stream.linear.gather [hbm4b:s11+s4], $0x2000, $0x38;
	[tilespmem:$0xC0F0] =	vst v63  }
0x24: {  	_ =	swait.ge [sflag:s29], $0x2000  }
0x25: {  	[sflag:s29] =	ssyncset.done $0x0  }
0x26: {  	s14 =	simm.s32 $0x130;
	[sflag:s29] =	ssyncadd.s32 $0xFFFFE000  }
0x27: {  	v0 =	vld [tilespmem:s14+$0x30]  }
0x28: {  	v1 =	vld [tilespmem:s14+$0xFFFFFFD0]  }
0x29: {  	v2 =	vld [tilespmem:s14+$0xFFFFFFE0]  }
0x2a: {  	v3 =	vld [tilespmem:s14+$0xFFFFFFF0]  }
0x2b: {  	v4 =	vld [tilespmem:s14+$0x0]  }
0x2c: {  	v5 =	vld [tilespmem:s14+$0x10]  }
0x2d: {  	v6 =	vld [tilespmem:s14+$0x20]  }
0x2e: {  	v7 =	vld [tilespmem:s14+$0xFFFFFFC0]  }
0x2f: {  	v8 =	vld.idx.msk [tilespmem:v0+s4+$0x0], $0xffff  }
0x30: {  	v9 =	vld.idx.msk [tilespmem:v1+s4+$0x0], $0xffff  }
0x31: {  	v10 =	vld.idx.msk [tilespmem:v2+s4+$0x0], $0xffff  }
0x32: {  	v11 =	vld.idx.msk [tilespmem:v3+s4+$0x0], $0xffff  }
0x33: {  	v12 =	vld.idx.msk [tilespmem:v4+s4+$0x0], $0xffff  }
0x34: {  	s9 =	simm.s32 $0x4130;
	v13 =	vld.idx.msk [tilespmem:v5+s4+$0x0], $0xffff  }
0x35: {  	v14 =	vld.idx.msk [tilespmem:v6+s4+$0x0], $0xffff;
	[tilespmem:s9+$0x30] =	vst v8  }
0x36: {  	v62 =	vld.idx.msk [tilespmem:v7+s4+$0x0], $0xffff;
	[tilespmem:s9+$0xFFFFFFD0] =	vst v9  }
0x37: {  	[tilespmem:s9+$0xFFFFFFE0] =	vst v10;
	v8 =	vld.idx.msk [tilespmem:v0+s26+$0x0], $0xffff  }
0x38: {  	[tilespmem:s9+$0xFFFFFFF0] =	vst v11;
	v63 =	vld.idx.msk [tilespmem:v1+s26+$0x0], $0xffff  }
0x39: {  	[tilespmem:s9+$0x0] =	vst v12;
	v0 =	vld.idx.msk [tilespmem:v2+s26+$0x0], $0xffff  }
0x3a: {  	[tilespmem:s9+$0x10] =	vst v13;
	v1 =	vld.idx.msk [tilespmem:v3+s26+$0x0], $0xffff  }
0x3b: {  	[tilespmem:s9+$0x20] =	vst v14;
	v2 =	vld.idx.msk [tilespmem:v4+s26+$0x0], $0xffff  }
0x3c: {  	s10 =	simm.s32 $0x8130;
	[tilespmem:s9+$0xFFFFFFC0] =	vst v62;
	v3 =	vld.idx.msk [tilespmem:v5+s26+$0x0], $0xffff  }
0x3d: {  	v4 =	vld.idx.msk [tilespmem:v6+s26+$0x0], $0xffff;
	[tilespmem:s10+$0x30] =	vst v8  }
0x3e: {  	s11 =	simm.s32 $0x0;
	s14 =	simm.s32 $0x1B0;
	v5 =	vld.idx.msk [tilespmem:v7+s26+$0x0], $0xffff;
	[tilespmem:s10+$0xFFFFFFD0] =	vst v63  }
.LBB2_2:
0x3f: {  	v6 =	vld [tilespmem:s14+$0x30];
	s11 =	sadd.s32 $0x80, s11;
	[tilespmem:s10+$0xFFFFFFE0] =	vst v0  }
0x40: {  	v0 =	vld [tilespmem:s14+$0xFFFFFFD0];
	p0 =	slt.u32 s11, $0x1F80;
	[tilespmem:s10+$0xFFFFFFF0] =	vst v1  }
0x41: {  	v1 =	vld [tilespmem:s14+$0xFFFFFFE0];
	[tilespmem:s10+$0x0] =	vst v2  }
0x42: {  	v2 =	vld [tilespmem:s14+$0xFFFFFFF0];
	[tilespmem:s10+$0x10] =	vst v3  }
0x43: {  	v3 =	vld [tilespmem:s14+$0x0];
	[tilespmem:s10+$0x20] =	vst v4  }
0x44: {  	v4 =	vld [tilespmem:s14+$0x10];
	[tilespmem:s10+$0xFFFFFFC0] =	vst v5  }
0x45: {  	v5 =	vld [tilespmem:s14+$0x20]  }
0x46: {  	v7 =	vld [tilespmem:s14+$0xFFFFFFC0]  }
0x47: {  	v8 =	vld.idx.msk [tilespmem:v6+s4+$0x0], $0xffff  }
0x48: {  	v9 =	vld.idx.msk [tilespmem:v0+s4+$0x0], $0xffff  }
0x49: {  	v10 =	vld.idx.msk [tilespmem:v1+s4+$0x0], $0xffff  }
0x4a: {  	v11 =	vld.idx.msk [tilespmem:v2+s4+$0x0], $0xffff  }
0x4b: {  	v12 =	vld.idx.msk [tilespmem:v3+s4+$0x0], $0xffff  }
0x4c: {  	s9 =	sadd.s32 $0x80, s9;
	v13 =	vld.idx.msk [tilespmem:v4+s4+$0x0], $0xffff  }
0x4d: {  	v14 =	vld.idx.msk [tilespmem:v5+s4+$0x0], $0xffff;
	[tilespmem:s9+$0x30] =	vst v8  }
0x4e: {  	[tilespmem:s9+$0xFFFFFFD0] =	vst v9;
	v6 =	vld.idx.msk [tilespmem:v6+s26+$0x0], $0xffff  }
0x4f: {  	v8 =	vld.idx.msk [tilespmem:v7+s4+$0x0], $0xffff;
	[tilespmem:s9+$0xFFFFFFE0] =	vst v10  }
0x50: {  	v9 =	vld.idx.msk [tilespmem:v0+s26+$0x0], $0xffff;
	[tilespmem:s9+$0xFFFFFFF0] =	vst v11  }
0x51: {  	v0 =	vld.idx.msk [tilespmem:v1+s26+$0x0], $0xffff;
	[tilespmem:s9+$0x0] =	vst v12  }
.Ltmp0:
0x52: {  	v1 =	vld.idx.msk [tilespmem:v2+s26+$0x0], $0xffff;
	[tilespmem:s9+$0x10] =	vst v13;
	(pc) =	sbr.rel @p0 .LBB2_2-.Ltmp0, $4  }
0x53: {  	s10 =	sadd.s32 $0x80, s10;
	v2 =	vld.idx.msk [tilespmem:v3+s26+$0x0], $0xffff;
	[tilespmem:s9+$0x20] =	vst v14  }
0x54: {  	v3 =	vld.idx.msk [tilespmem:v4+s26+$0x0], $0xffff;
	[tilespmem:s10+$0x30] =	vst v6  }
0x55: {  	[tilespmem:s9+$0xFFFFFFC0] =	vst v8;
	v4 =	vld.idx.msk [tilespmem:v5+s26+$0x0], $0xffff  }
0x56: {  	s14 =	sadd.s32 $0x80, s14;
	v5 =	vld.idx.msk [tilespmem:v7+s26+$0x0], $0xffff;
	[tilespmem:s10+$0xFFFFFFD0] =	vst v9  }
0x57: {  	[tilespmem:s10+$0xFFFFFFE0] =	vst v0  }
0x58: {  	[tilespmem:s10+$0xFFFFFFF0] =	vst v1  }
0x59: {  	[tilespmem:s10+$0x0] =	vst v2  }
0x5a: {  	[tilespmem:s10+$0x10] =	vst v3  }
0x5b: {  	[tilespmem:s10+$0x20] =	vst v4  }
0x5c: {  	[tilespmem:s10+$0xFFFFFFC0] =	vst v5  }
0x5d: {  	s9 =	rddreg [dreg:$0x7]  }
0x5e: {  	[hbm4b:s9+s4] =	stream.linear.scatter [tilespmem:s30], [sflag:$0x3], $0x2000, $0x38;
	[tilespmem:$0xC0F0] =	vst v63  }
0x5f: {  	s10 =	rddreg [dreg:$0x8]  }
0x60: {  	[hbm4b:s10+s4] =	stream.linear.scatter [tilespmem:s31], [sflag:$0x5], $0x2000, $0x38;
	[tilespmem:$0xC0F0] =	vst v63  }
0x61: {  	s11 =	rddreg [dreg:$0x9]  }
0x62: {  	[tilespmem:s24], [sflag:$0x1] =	stream.linear.gather [hbm4b:s11+s4], $0x2000, $0x38;
	[tilespmem:$0xC0F0] =	vst v63  }
0x63: {  	_ =	swait.ge [sflag:s2], $0x2000  }
0x64: {  	[sflag:s2] =	ssyncset.done $0x0  }
0x65: {  	s14 =	simm.s32 $0x2130;
	[sflag:s2] =	ssyncadd.s32 $0xFFFFE000  }
0x66: {  	v0 =	vld [tilespmem:s14+$0x30]  }
0x67: {  	v1 =	vld [tilespmem:s14+$0xFFFFFFD0]  }
0x68: {  	v2 =	vld [tilespmem:s14+$0xFFFFFFE0]  }
0x69: {  	v3 =	vld [tilespmem:s14+$0xFFFFFFF0]  }
0x6a: {  	v4 =	vld [tilespmem:s14+$0x0]  }
0x6b: {  	v5 =	vld [tilespmem:s14+$0x10]  }
0x6c: {  	v6 =	vld [tilespmem:s14+$0x20]  }
0x6d: {  	v7 =	vld [tilespmem:s14+$0xFFFFFFC0]  }
0x6e: {  	v8 =	vld.idx.msk [tilespmem:v0+s4+$0x0], $0xffff  }
0x6f: {  	v9 =	vld.idx.msk [tilespmem:v1+s4+$0x0], $0xffff  }
0x70: {  	v10 =	vld.idx.msk [tilespmem:v2+s4+$0x0], $0xffff  }
0x71: {  	v11 =	vld.idx.msk [tilespmem:v3+s4+$0x0], $0xffff  }
0x72: {  	v12 =	vld.idx.msk [tilespmem:v4+s4+$0x0], $0xffff  }
0x73: {  	s9 =	simm.s32 $0x6130;
	v13 =	vld.idx.msk [tilespmem:v5+s4+$0x0], $0xffff  }
0x74: {  	v14 =	vld.idx.msk [tilespmem:v6+s4+$0x0], $0xffff;
	[tilespmem:s9+$0x30] =	vst v8  }
0x75: {  	v62 =	vld.idx.msk [tilespmem:v7+s4+$0x0], $0xffff;
	[tilespmem:s9+$0xFFFFFFD0] =	vst v9  }
0x76: {  	[tilespmem:s9+$0xFFFFFFE0] =	vst v10;
	v8 =	vld.idx.msk [tilespmem:v0+s26+$0x0], $0xffff  }
0x77: {  	[tilespmem:s9+$0xFFFFFFF0] =	vst v11;
	v63 =	vld.idx.msk [tilespmem:v1+s26+$0x0], $0xffff  }
0x78: {  	[tilespmem:s9+$0x0] =	vst v12;
	v0 =	vld.idx.msk [tilespmem:v2+s26+$0x0], $0xffff  }
0x79: {  	[tilespmem:s9+$0x10] =	vst v13;
	v1 =	vld.idx.msk [tilespmem:v3+s26+$0x0], $0xffff  }
0x7a: {  	[tilespmem:s9+$0x20] =	vst v14;
	v2 =	vld.idx.msk [tilespmem:v4+s26+$0x0], $0xffff  }
0x7b: {  	s10 =	simm.s32 $0xA130;
	[tilespmem:s9+$0xFFFFFFC0] =	vst v62;
	v3 =	vld.idx.msk [tilespmem:v5+s26+$0x0], $0xffff  }
0x7c: {  	v4 =	vld.idx.msk [tilespmem:v6+s26+$0x0], $0xffff;
	[tilespmem:s10+$0x30] =	vst v8  }
0x7d: {  	s11 =	simm.s32 $0x0;
	s14 =	simm.s32 $0x21B0;
	v5 =	vld.idx.msk [tilespmem:v7+s26+$0x0], $0xffff;
	[tilespmem:s10+$0xFFFFFFD0] =	vst v63  }
.LBB2_4:
0x7e: {  	v6 =	vld [tilespmem:s14+$0x30];
	s11 =	sadd.s32 $0x80, s11;
	[tilespmem:s10+$0xFFFFFFE0] =	vst v0  }
0x7f: {  	v0 =	vld [tilespmem:s14+$0xFFFFFFD0];
	p0 =	slt.u32 s11, $0x1F80;
	[tilespmem:s10+$0xFFFFFFF0] =	vst v1  }
0x80: {  	v1 =	vld [tilespmem:s14+$0xFFFFFFE0];
	[tilespmem:s10+$0x0] =	vst v2  }
0x81: {  	v2 =	vld [tilespmem:s14+$0xFFFFFFF0];
	[tilespmem:s10+$0x10] =	vst v3  }
0x82: {  	v3 =	vld [tilespmem:s14+$0x0];
	[tilespmem:s10+$0x20] =	vst v4  }
0x83: {  	v4 =	vld [tilespmem:s14+$0x10];
	[tilespmem:s10+$0xFFFFFFC0] =	vst v5  }
0x84: {  	v5 =	vld [tilespmem:s14+$0x20]  }
0x85: {  	v7 =	vld [tilespmem:s14+$0xFFFFFFC0]  }
0x86: {  	v8 =	vld.idx.msk [tilespmem:v6+s4+$0x0], $0xffff  }
0x87: {  	v9 =	vld.idx.msk [tilespmem:v0+s4+$0x0], $0xffff  }
0x88: {  	v10 =	vld.idx.msk [tilespmem:v1+s4+$0x0], $0xffff  }
0x89: {  	v11 =	vld.idx.msk [tilespmem:v2+s4+$0x0], $0xffff  }
0x8a: {  	v12 =	vld.idx.msk [tilespmem:v3+s4+$0x0], $0xffff  }
0x8b: {  	s9 =	sadd.s32 $0x80, s9;
	v13 =	vld.idx.msk [tilespmem:v4+s4+$0x0], $0xffff  }
0x8c: {  	v14 =	vld.idx.msk [tilespmem:v5+s4+$0x0], $0xffff;
	[tilespmem:s9+$0x30] =	vst v8  }
0x8d: {  	[tilespmem:s9+$0xFFFFFFD0] =	vst v9;
	v6 =	vld.idx.msk [tilespmem:v6+s26+$0x0], $0xffff  }
0x8e: {  	v8 =	vld.idx.msk [tilespmem:v7+s4+$0x0], $0xffff;
	[tilespmem:s9+$0xFFFFFFE0] =	vst v10  }
0x8f: {  	v9 =	vld.idx.msk [tilespmem:v0+s26+$0x0], $0xffff;
	[tilespmem:s9+$0xFFFFFFF0] =	vst v11  }
0x90: {  	v0 =	vld.idx.msk [tilespmem:v1+s26+$0x0], $0xffff;
	[tilespmem:s9+$0x0] =	vst v12  }
.Ltmp1:
0x91: {  	v1 =	vld.idx.msk [tilespmem:v2+s26+$0x0], $0xffff;
	[tilespmem:s9+$0x10] =	vst v13;
	(pc) =	sbr.rel @p0 .LBB2_4-.Ltmp1, $4  }
0x92: {  	s10 =	sadd.s32 $0x80, s10;
	v2 =	vld.idx.msk [tilespmem:v3+s26+$0x0], $0xffff;
	[tilespmem:s9+$0x20] =	vst v14  }
0x93: {  	v3 =	vld.idx.msk [tilespmem:v4+s26+$0x0], $0xffff;
	[tilespmem:s10+$0x30] =	vst v6  }
0x94: {  	[tilespmem:s9+$0xFFFFFFC0] =	vst v8;
	v4 =	vld.idx.msk [tilespmem:v5+s26+$0x0], $0xffff  }
0x95: {  	s14 =	sadd.s32 $0x80, s14;
	v5 =	vld.idx.msk [tilespmem:v7+s26+$0x0], $0xffff;
	[tilespmem:s10+$0xFFFFFFD0] =	vst v9  }
0x96: {  	[tilespmem:s10+$0xFFFFFFE0] =	vst v0  }
0x97: {  	[tilespmem:s10+$0xFFFFFFF0] =	vst v1  }
0x98: {  	[tilespmem:s10+$0x0] =	vst v2  }
0x99: {  	[tilespmem:s10+$0x10] =	vst v3  }
0x9a: {  	[tilespmem:s10+$0x20] =	vst v4  }
0x9b: {  	[tilespmem:s10+$0xFFFFFFC0] =	vst v5  }
0x9c: {  	s9 =	rddreg [dreg:$0xa]  }
0x9d: {  	[hbm4b:s9+s4] =	stream.linear.scatter [tilespmem:s0], [sflag:$0x4], $0x2000, $0x38;
	[tilespmem:$0xC0F0] =	vst v63  }
0x9e: {  	s10 =	rddreg [dreg:$0xb]  }
0x9f: {  	[hbm4b:s10+s4] =	stream.linear.scatter [tilespmem:s1], [sflag:$0x6], $0x2000, $0x38;
	[tilespmem:$0xC0F0] =	vst v63  }
0xa0: {  	s11 =	rddreg [dreg:$0xc]  }
0xa1: {  	[tilespmem:s28], [sflag:$0x2] =	stream.linear.gather [hbm4b:s11+s4], s13, $0x38;
	[tilespmem:$0xC0F0] =	vst v63  }
0xa2: {  	_ =	swait.ge [sflag:s29], $0x2000  }
0xa3: {  	[sflag:s29] =	ssyncset.done $0x0  }
0xa4: {  	[sflag:s29] =	ssyncadd.s32 $0xFFFFE000  }
0xa5: {  	_ =	swait.ge [sflag:s3], $0x2000  }
0xa6: {  	[sflag:s3] =	ssyncset.done $0x0  }
0xa7: {  	[sflag:s3] =	ssyncadd.s32 $0xFFFFE000  }
0xa8: {  	_ =	swait.ge [sflag:s5], $0x2000  }
0xa9: {  	[sflag:s5] =	ssyncset.done $0x0  }
0xaa: {  	s14 =	simm.s32 $0x130;
	[sflag:s5] =	ssyncadd.s32 $0xFFFFE000  }
0xab: {  	v0 =	vld [tilespmem:s14+$0x30]  }
0xac: {  	v1 =	vld [tilespmem:s14+$0xFFFFFFD0]  }
0xad: {  	v2 =	vld [tilespmem:s14+$0xFFFFFFE0]  }
0xae: {  	v3 =	vld [tilespmem:s14+$0xFFFFFFF0]  }
0xaf: {  	v4 =	vld [tilespmem:s14+$0x0]  }
0xb0: {  	v5 =	vld [tilespmem:s14+$0x10]  }
0xb1: {  	v6 =	vld [tilespmem:s14+$0x20]  }
0xb2: {  	v7 =	vld [tilespmem:s14+$0xFFFFFFC0]  }
0xb3: {  	v8 =	vld.idx.msk [tilespmem:v0+s4+$0x0], $0xffff  }
0xb4: {  	v9 =	vld.idx.msk [tilespmem:v1+s4+$0x0], $0xffff  }
0xb5: {  	v10 =	vld.idx.msk [tilespmem:v2+s4+$0x0], $0xffff  }
0xb6: {  	v11 =	vld.idx.msk [tilespmem:v3+s4+$0x0], $0xffff  }
0xb7: {  	v12 =	vld.idx.msk [tilespmem:v4+s4+$0x0], $0xffff  }
0xb8: {  	s9 =	simm.s32 $0x4130;
	v13 =	vld.idx.msk [tilespmem:v5+s4+$0x0], $0xffff  }
0xb9: {  	v14 =	vld.idx.msk [tilespmem:v6+s4+$0x0], $0xffff;
	[tilespmem:s9+$0x30] =	vst v8  }
0xba: {  	v62 =	vld.idx.msk [tilespmem:v7+s4+$0x0], $0xffff;
	[tilespmem:s9+$0xFFFFFFD0] =	vst v9  }
0xbb: {  	[tilespmem:s9+$0xFFFFFFE0] =	vst v10;
	v8 =	vld.idx.msk [tilespmem:v0+s26+$0x0], $0xffff  }
0xbc: {  	[tilespmem:s9+$0xFFFFFFF0] =	vst v11;
	v63 =	vld.idx.msk [tilespmem:v1+s26+$0x0], $0xffff  }
0xbd: {  	[tilespmem:s9+$0x0] =	vst v12;
	v0 =	vld.idx.msk [tilespmem:v2+s26+$0x0], $0xffff  }
0xbe: {  	[tilespmem:s9+$0x10] =	vst v13;
	v1 =	vld.idx.msk [tilespmem:v3+s26+$0x0], $0xffff  }
0xbf: {  	[tilespmem:s9+$0x20] =	vst v14;
	v2 =	vld.idx.msk [tilespmem:v4+s26+$0x0], $0xffff  }
0xc0: {  	s10 =	simm.s32 $0x8130;
	[tilespmem:s9+$0xFFFFFFC0] =	vst v62;
	v3 =	vld.idx.msk [tilespmem:v5+s26+$0x0], $0xffff  }
0xc1: {  	v4 =	vld.idx.msk [tilespmem:v6+s26+$0x0], $0xffff;
	[tilespmem:s10+$0x30] =	vst v8  }
0xc2: {  	s11 =	simm.s32 $0x0;
	s14 =	simm.s32 $0x1B0;
	v5 =	vld.idx.msk [tilespmem:v7+s26+$0x0], $0xffff;
	[tilespmem:s10+$0xFFFFFFD0] =	vst v63  }
.LBB2_6:
0xc3: {  	v6 =	vld [tilespmem:s14+$0x30];
	s11 =	sadd.s32 $0x80, s11;
	[tilespmem:s10+$0xFFFFFFE0] =	vst v0  }
0xc4: {  	v0 =	vld [tilespmem:s14+$0xFFFFFFD0];
	p0 =	slt.u32 s11, $0x1F80;
	[tilespmem:s10+$0xFFFFFFF0] =	vst v1  }
0xc5: {  	v1 =	vld [tilespmem:s14+$0xFFFFFFE0];
	[tilespmem:s10+$0x0] =	vst v2  }
0xc6: {  	v2 =	vld [tilespmem:s14+$0xFFFFFFF0];
	[tilespmem:s10+$0x10] =	vst v3  }
0xc7: {  	v3 =	vld [tilespmem:s14+$0x0];
	[tilespmem:s10+$0x20] =	vst v4  }
0xc8: {  	v4 =	vld [tilespmem:s14+$0x10];
	[tilespmem:s10+$0xFFFFFFC0] =	vst v5  }
0xc9: {  	v5 =	vld [tilespmem:s14+$0x20]  }
0xca: {  	v7 =	vld [tilespmem:s14+$0xFFFFFFC0]  }
0xcb: {  	v8 =	vld.idx.msk [tilespmem:v6+s4+$0x0], $0xffff  }
0xcc: {  	v9 =	vld.idx.msk [tilespmem:v0+s4+$0x0], $0xffff  }
0xcd: {  	v10 =	vld.idx.msk [tilespmem:v1+s4+$0x0], $0xffff  }
0xce: {  	v11 =	vld.idx.msk [tilespmem:v2+s4+$0x0], $0xffff  }
0xcf: {  	v12 =	vld.idx.msk [tilespmem:v3+s4+$0x0], $0xffff  }
0xd0: {  	s9 =	sadd.s32 $0x80, s9;
	v13 =	vld.idx.msk [tilespmem:v4+s4+$0x0], $0xffff  }
0xd1: {  	v14 =	vld.idx.msk [tilespmem:v5+s4+$0x0], $0xffff;
	[tilespmem:s9+$0x30] =	vst v8  }
0xd2: {  	[tilespmem:s9+$0xFFFFFFD0] =	vst v9;
	v6 =	vld.idx.msk [tilespmem:v6+s26+$0x0], $0xffff  }
0xd3: {  	v8 =	vld.idx.msk [tilespmem:v7+s4+$0x0], $0xffff;
	[tilespmem:s9+$0xFFFFFFE0] =	vst v10  }
0xd4: {  	v9 =	vld.idx.msk [tilespmem:v0+s26+$0x0], $0xffff;
	[tilespmem:s9+$0xFFFFFFF0] =	vst v11  }
0xd5: {  	v0 =	vld.idx.msk [tilespmem:v1+s26+$0x0], $0xffff;
	[tilespmem:s9+$0x0] =	vst v12  }
.Ltmp2:
0xd6: {  	v1 =	vld.idx.msk [tilespmem:v2+s26+$0x0], $0xffff;
	[tilespmem:s9+$0x10] =	vst v13;
	(pc) =	sbr.rel @p0 .LBB2_6-.Ltmp2, $4  }
0xd7: {  	s10 =	sadd.s32 $0x80, s10;
	v2 =	vld.idx.msk [tilespmem:v3+s26+$0x0], $0xffff;
	[tilespmem:s9+$0x20] =	vst v14  }
0xd8: {  	v3 =	vld.idx.msk [tilespmem:v4+s26+$0x0], $0xffff;
	[tilespmem:s10+$0x30] =	vst v6  }
0xd9: {  	[tilespmem:s9+$0xFFFFFFC0] =	vst v8;
	v4 =	vld.idx.msk [tilespmem:v5+s26+$0x0], $0xffff  }
0xda: {  	s14 =	sadd.s32 $0x80, s14;
	v5 =	vld.idx.msk [tilespmem:v7+s26+$0x0], $0xffff;
	[tilespmem:s10+$0xFFFFFFD0] =	vst v9  }
0xdb: {  	[tilespmem:s10+$0xFFFFFFE0] =	vst v0  }
0xdc: {  	[tilespmem:s10+$0xFFFFFFF0] =	vst v1  }
0xdd: {  	[tilespmem:s10+$0x0] =	vst v2  }
0xde: {  	[tilespmem:s10+$0x10] =	vst v3  }
0xdf: {  	[tilespmem:s10+$0x20] =	vst v4  }
0xe0: {  	s9 =	simm.s32 $0x0;
	[tilespmem:s10+$0xFFFFFFC0] =	vst v5  }
0xe1: {  	[hbm4b:s15+s9] =	stream.linear.scatter [tilespmem:s30], [sflag:$0x3], $0x2000, $0x38;
	[tilespmem:$0xC0F0] =	vst v63  }
0xe2: {  	_ = 	snop  }
0xe3: {  	[hbm4b:s16+s9] =	stream.linear.scatter [tilespmem:s31], [sflag:$0x5], $0x2000, $0x38;
	[tilespmem:$0xC0F0] =	vst v63  }
0xe4: {  	_ =	swait.ge [sflag:s2], s13  }
0xe5: {  	[sflag:s2] =	ssyncset.done $0x0  }
0xe6: {  	[sflag:s2] =	ssyncadd.s32 s12  }
0xe7: {  	_ =	swait.ge [sflag:s6], $0x2000  }
0xe8: {  	[sflag:s6] =	ssyncset.done $0x0  }
0xe9: {  	[sflag:s6] =	ssyncadd.s32 $0xFFFFE000  }
0xea: {  	_ =	swait.ge [sflag:s7], $0x2000  }
0xeb: {  	[sflag:s7] =	ssyncset.done $0x0  }
0xec: {  	s14 =	simm.s32 $0x2130;
	[sflag:s7] =	ssyncadd.s32 $0xFFFFE000  }
0xed: {  	v0 =	vld [tilespmem:s14+$0x30]  }
0xee: {  	v1 =	vld [tilespmem:s14+$0xFFFFFFD0]  }
0xef: {  	v2 =	vld [tilespmem:s14+$0xFFFFFFE0]  }
0xf0: {  	v3 =	vld [tilespmem:s14+$0xFFFFFFF0]  }
0xf1: {  	v4 =	vld [tilespmem:s14+$0x0]  }
0xf2: {  	v5 =	vld [tilespmem:s14+$0x10]  }
0xf3: {  	v6 =	vld [tilespmem:s14+$0x20]  }
0xf4: {  	v7 =	vld [tilespmem:s14+$0xFFFFFFC0]  }
0xf5: {  	v8 =	vld.idx.msk [tilespmem:v0+s4+$0x0], $0xffff  }
0xf6: {  	v9 =	vld.idx.msk [tilespmem:v1+s4+$0x0], $0xffff  }
0xf7: {  	v10 =	vld.idx.msk [tilespmem:v2+s4+$0x0], $0xffff  }
0xf8: {  	v11 =	vld.idx.msk [tilespmem:v3+s4+$0x0], $0xffff  }
0xf9: {  	v12 =	vld.idx.msk [tilespmem:v4+s4+$0x0], $0xffff  }
0xfa: {  	s9 =	simm.s32 $0x6130;
	v13 =	vld.idx.msk [tilespmem:v5+s4+$0x0], $0xffff  }
0xfb: {  	v14 =	vld.idx.msk [tilespmem:v6+s4+$0x0], $0xffff;
	[tilespmem:s9+$0x30] =	vst v8  }
0xfc: {  	v62 =	vld.idx.msk [tilespmem:v7+s4+$0x0], $0xffff;
	[tilespmem:s9+$0xFFFFFFD0] =	vst v9  }
0xfd: {  	[tilespmem:s9+$0xFFFFFFE0] =	vst v10;
	v8 =	vld.idx.msk [tilespmem:v0+s26+$0x0], $0xffff  }
0xfe: {  	[tilespmem:s9+$0xFFFFFFF0] =	vst v11;
	v63 =	vld.idx.msk [tilespmem:v1+s26+$0x0], $0xffff  }
0xff: {  	p0 =	sgt.u32 s17, $0x80;
	[tilespmem:s9+$0x0] =	vst v12;
	v0 =	vld.idx.msk [tilespmem:v2+s26+$0x0], $0xffff  }
.Ltmp3:
0x100: {  	[tilespmem:s9+$0x10] =	vst v13;
	v1 =	vld.idx.msk [tilespmem:v3+s26+$0x0], $0xffff;
	(pc) =	sbr.rel @!p0 .LBB2_9-.Ltmp3, $4  }
0x101: {  	[tilespmem:s9+$0x20] =	vst v14;
	v2 =	vld.idx.msk [tilespmem:v4+s26+$0x0], $0xffff  }
0x102: {  	s10 =	simm.s32 $0xA130;
	[tilespmem:s9+$0xFFFFFFC0] =	vst v62;
	v3 =	vld.idx.msk [tilespmem:v5+s26+$0x0], $0xffff  }
0x103: {  	v4 =	vld.idx.msk [tilespmem:v6+s26+$0x0], $0xffff;
	[tilespmem:s10+$0x30] =	vst v8  }
0x104: {  	s11 =	simm.s32 $0x80;
	s14 =	simm.s32 $0x21B0;
	v5 =	vld.idx.msk [tilespmem:v7+s26+$0x0], $0xffff;
	[tilespmem:s10+$0xFFFFFFD0] =	vst v63  }
.LBB2_8:
0x105: {  	v6 =	vld [tilespmem:s14+$0x30];
	s11 =	sadd.s32 $0x80, s11;
	[tilespmem:s10+$0xFFFFFFE0] =	vst v0  }
0x106: {  	v0 =	vld [tilespmem:s14+$0xFFFFFFD0];
	p0 =	slt.u32 s11, s17;
	[tilespmem:s10+$0xFFFFFFF0] =	vst v1  }
0x107: {  	v1 =	vld [tilespmem:s14+$0xFFFFFFE0];
	[tilespmem:s10+$0x0] =	vst v2  }
0x108: {  	v2 =	vld [tilespmem:s14+$0xFFFFFFF0];
	[tilespmem:s10+$0x10] =	vst v3  }
0x109: {  	v3 =	vld [tilespmem:s14+$0x0];
	[tilespmem:s10+$0x20] =	vst v4  }
0x10a: {  	v4 =	vld [tilespmem:s14+$0x10];
	[tilespmem:s10+$0xFFFFFFC0] =	vst v5  }
0x10b: {  	v5 =	vld [tilespmem:s14+$0x20]  }
0x10c: {  	v7 =	vld [tilespmem:s14+$0xFFFFFFC0]  }
0x10d: {  	v8 =	vld.idx.msk [tilespmem:v6+s4+$0x0], $0xffff  }
0x10e: {  	v9 =	vld.idx.msk [tilespmem:v0+s4+$0x0], $0xffff  }
0x10f: {  	v10 =	vld.idx.msk [tilespmem:v1+s4+$0x0], $0xffff  }
0x110: {  	v11 =	vld.idx.msk [tilespmem:v2+s4+$0x0], $0xffff  }
0x111: {  	v12 =	vld.idx.msk [tilespmem:v3+s4+$0x0], $0xffff  }
0x112: {  	s9 =	sadd.s32 $0x80, s9;
	v13 =	vld.idx.msk [tilespmem:v4+s4+$0x0], $0xffff  }
0x113: {  	v14 =	vld.idx.msk [tilespmem:v5+s4+$0x0], $0xffff;
	[tilespmem:s9+$0x30] =	vst v8  }
0x114: {  	[tilespmem:s9+$0xFFFFFFD0] =	vst v9;
	v6 =	vld.idx.msk [tilespmem:v6+s26+$0x0], $0xffff  }
0x115: {  	v8 =	vld.idx.msk [tilespmem:v7+s4+$0x0], $0xffff;
	[tilespmem:s9+$0xFFFFFFE0] =	vst v10  }
0x116: {  	v9 =	vld.idx.msk [tilespmem:v0+s26+$0x0], $0xffff;
	[tilespmem:s9+$0xFFFFFFF0] =	vst v11  }
0x117: {  	v0 =	vld.idx.msk [tilespmem:v1+s26+$0x0], $0xffff;
	[tilespmem:s9+$0x0] =	vst v12  }
.Ltmp4:
0x118: {  	v1 =	vld.idx.msk [tilespmem:v2+s26+$0x0], $0xffff;
	[tilespmem:s9+$0x10] =	vst v13;
	(pc) =	sbr.rel @p0 .LBB2_8-.Ltmp4, $4  }
0x119: {  	s10 =	sadd.s32 $0x80, s10;
	v2 =	vld.idx.msk [tilespmem:v3+s26+$0x0], $0xffff;
	[tilespmem:s9+$0x20] =	vst v14  }
0x11a: {  	v3 =	vld.idx.msk [tilespmem:v4+s26+$0x0], $0xffff;
	[tilespmem:s10+$0x30] =	vst v6  }
0x11b: {  	[tilespmem:s9+$0xFFFFFFC0] =	vst v8;
	v4 =	vld.idx.msk [tilespmem:v5+s26+$0x0], $0xffff  }
0x11c: {  	s14 =	sadd.s32 $0x80, s14;
	v5 =	vld.idx.msk [tilespmem:v7+s26+$0x0], $0xffff;
	[tilespmem:s10+$0xFFFFFFD0] =	vst v9  }
.LBB2_9:
0x11d: {  	[tilespmem:s10+$0xFFFFFFE0] =	vst v0  }
0x11e: {  	[tilespmem:s10+$0xFFFFFFF0] =	vst v1  }
0x11f: {  	[tilespmem:s10+$0x0] =	vst v2  }
0x120: {  	[tilespmem:s10+$0x10] =	vst v3  }
0x121: {  	s9 =	smov.u32 s23;
	[tilespmem:s10+$0x20] =	vst v4  }
0x122: {  	s11 =	smov.u32 s21;
	s14 =	smov.u32 s17;
	[tilespmem:s10+$0xFFFFFFC0] =	vst v5;
	s10 =	smov.u32 s22  }
.LBB2_10:
0x123: {  	v0 =	vld [tilespmem:s9+$0x0];
	_ =	sdelay $0x7  }
0x124: {  	v1 =	vld.idx.msk [tilespmem:v0+s4+$0x0], $0xffff;
	_ =	sdelay $0x4  }
0x125: {  	s14 =	sadd.s32 $0x10, s14;
	[tilespmem:s10+$0x0] =	vst v1  }
0x126: {  	p0 =	slt.u32 s14, s13;
	v0 =	vld.idx.msk [tilespmem:v0+s26+$0x0], $0xffff  }
.Ltmp5:
0x127: {  	_ = 	snop;
	(pc) =	sbr.rel @p0 .LBB2_10-.Ltmp5, $2  }
0x128: {  	_ =	sdelay $0x2  }
0x129: {  	s9 =	sadd.s32 $0x10, s9;
	s10 =	sadd.s32 $0x10, s10;
	[tilespmem:s11+$0x0] =	vst v0;
	s11 =	sadd.s32 $0x10, s11  }
0x12a: {  	[hbm4b:s18+s4] =	stream.linear.scatter [tilespmem:s0], [sflag:$0x4], s13, $0x38;
	[tilespmem:$0xC0F0] =	vst v63  }
0x12b: {  	_ = 	snop  }
0x12c: {  	[hbm4b:s19+s4] =	stream.linear.scatter [tilespmem:s1], [sflag:$0x6], s13, $0x38;
	[tilespmem:$0xC0F0] =	vst v63  }
0x12d: {  	_ =	swait.ge [sflag:s3], $0x2000  }
0x12e: {  	[sflag:s3] =	ssyncset.done $0x0  }
0x12f: {  	[sflag:s3] =	ssyncadd.s32 $0xFFFFE000  }
0x130: {  	_ =	swait.ge [sflag:s5], $0x2000  }
0x131: {  	[sflag:s5] =	ssyncset.done $0x0  }
0x132: {  	s8 =	sadd.s32 $0x1, s8;
	[sflag:s5] =	ssyncadd.s32 $0xFFFFE000  }
0x133: {  	p0 =	sne.s32 s8, s20;
	_ =	swait.ge [sflag:s6], s13  }
.Ltmp6:
0x134: {  	[sflag:s6] =	ssyncset.done $0x0;
	(pc) =	sbr.rel @p0 .LBB2_1-.Ltmp6, $4  }
0x135: {  	[sflag:s6] =	ssyncadd.s32 s12  }
0x136: {  	_ =	swait.ge [sflag:s7], s13  }
0x137: {  	[sflag:s7] =	ssyncset.done $0x0  }
0x138: {  	[sflag:s7] =	ssyncadd.s32 s12  }
0x139: {  	_ =	sfence.sel $0x180000  }
0x13a: {  	[bflag:$0x0] =	sbarrier.arrive $0xFFFF  }
0x13b: {  	_ =	strace $0x90000047  }
0x13c: {  	s0 =	stileid.u32;
	[bflag:$0x2] =	sbarrier.arrive $0xFFFF  }
0x13d: {  	p0 =	sne.s32 s0, $0x0;
	s0 =	rddreg [dreg:$0x4]  }
0x13e: {  	s0 =	sadd.s32 @!p0 $0x100000, s0  }
0x13f: {  	[sflag:s0] =	ssyncadd.tile.s32 @!p0 $0x1;
	_ =	shalt  }
.Lfunc_end2:
_tile_overlayer_lowered:
.L_overlay_start_2:
0x140: {  	(tag) =	ssettag $0x2  }
0x141: {  	s0 =	rddreg [dreg:$0x0];
	s2 =	stileid.u32  }
0x142: {  	s1 =	rddreg [dreg:$0x1];
	p0 =	sne.s32 s2, $0x0  }
0x143: {  	s3 =	rddreg [dreg:$0x2];
	[bflag:$0x3] =	sbarrier.arrive $0xFFFF;
	s2 =	simm.s32 @!p0 $0x1C07  }
0x144: {  	[timem:s3], [sflag:s2] =	dma.local @!p0 [hbm:s0], s1  }
0x145: {  	s0 =	simm.s32 @!p0 $0x7  }
0x146: {  	_ =	swait.ge @!p0 [sflag:s0], s1  }
0x147: {  	s1 =	ssub.s32 @!p0 $0x0, s1;
	[sflag:s0] =	ssyncset.done @!p0 $0x0  }
0x148: {  	[sflag:s0] =	ssyncadd.s32 @!p0 s1  }
0x149: {  	[bflag:$0x3] =	sbarrier.arrive $0xFFFF  }
0x14a: {  	_ =	shalt  }

</sc_bundles>
